<compile_context>
chip_gen: v7x
topology: tpu7x:2x2x1
jax: 0.10.2.dev20260603
libtpu: 0.0.44.dev20260713+nightly
codegen_flags: <defaults>
</compile_context>

<pallas_src>
import functools

import jax
import jax.numpy as jnp
from jax import lax
from jax.experimental import pallas as pl
from jax.experimental.pallas import tpu as pltpu
from jax.experimental.pallas import tpu_sc as plsc

N = 10000
E = 160000
D = 128
T = 1024
ALPHA = 0.2
FILL = -9000000000000000.0

NT = 16
RPT = T // NT
SL = E // NT
CS = 2000
AC = 768
BC = 256
L = 16


def _hs_body(f_ref, w_ref, a1_ref, a2_ref, h_ref, s_ref):
    h = jnp.dot(f_ref[...], w_ref[...], preferred_element_type=jnp.float32)
    h_ref[...] = h
    s1 = jnp.sum(h * a1_ref[...], axis=1, keepdims=True)
    s2 = jnp.sum(h * a2_ref[...], axis=1, keepdims=True)
    s_ref[...] = jnp.concatenate([s1, s2], axis=1)


def _compute_h_s(features, W, a):
    a1 = a[:D, :].reshape(1, D)
    a2 = a[D:, :].reshape(1, D)
    blk = 1000
    return pl.pallas_call(
        _hs_body,
        grid=(N // blk,),
        in_specs=[
            pl.BlockSpec((blk, D), lambda i: (i, 0)),
            pl.BlockSpec((D, D), lambda i: (0, 0)),
            pl.BlockSpec((1, D), lambda i: (0, 0)),
            pl.BlockSpec((1, D), lambda i: (0, 0)),
        ],
        out_specs=[
            pl.BlockSpec((blk, D), lambda i: (i, 0)),
            pl.BlockSpec((blk, 2), lambda i: (i, 0)),
        ],
        out_shape=[
            jax.ShapeDtypeStruct((N, D), jnp.float32),
            jax.ShapeDtypeStruct((N, 2), jnp.float32),
        ],
    )(features, W, a1, a2)


def _st_body(s_ref, o_ref):
    x = s_ref[...]
    o_ref[...] = jnp.concatenate(
        [x[:, 0][None, :], x[:, 1][None, :]], axis=0)


def _transpose_s(s):
    return pl.pallas_call(
        _st_body,
        out_shape=jax.ShapeDtypeStruct((2, N), jnp.float32),
    )(s)


def _sm_body(att_ref, h_ref, o_ref):
    att = att_ref[...]
    m = jnp.max(att, axis=1, keepdims=True)
    p = jnp.exp(att - m)
    z = jnp.sum(p, axis=1, keepdims=True)
    o = jnp.dot(p / z, h_ref[...], preferred_element_type=jnp.float32)
    o_ref[...] = jnp.where(o > 0, o, jnp.exp(o) - 1.0)


def _softmax_matmul(att, h):
    rb = 64
    return pl.pallas_call(
        _sm_body,
        grid=(T // rb,),
        in_specs=[
            pl.BlockSpec((rb, N), lambda i: (i, 0)),
            pl.BlockSpec((N, D), lambda i: (0, 0)),
        ],
        out_specs=pl.BlockSpec((rb, D), lambda i: (i, 0)),
        out_shape=jax.ShapeDtypeStruct((T, D), jnp.float32),
    )(att, h)


def _bucket_tile(tio_hbm, a0_hbm, a1_hbm, s12_hbm,
                 stg_ta_hbm, stg_id_hbm, stg_e_hbm, counts_hbm,
                 bc_hbm, bi_hbm, be_hbm, offb_hbm,
                 s1_v, s2_v, tio_c, a0_c, a1_c,
                 a_ta, a_id, a_e, off_a,
                 sb_ta, sb_id, sb_e, counts_v,
                 b_col, b_id, b_e, off_b):
    wid = lax.axis_index("s") + 0 * lax.axis_index("c")
    lo = wid * RPT
    lane_iota = lax.iota(jnp.int32, L)

    pltpu.sync_copy(s12_hbm.at[0], s1_v)
    pltpu.sync_copy(s12_hbm.at[1], s2_v)
    off_a[...] = jnp.zeros((L,), jnp.int32)

    def scan_chunk(c, _):
        base = wid * SL + c * CS
        pltpu.sync_copy(tio_hbm.at[pl.ds(base, CS)], tio_c)
        pltpu.sync_copy(a0_hbm.at[pl.ds(base, CS)], a0_c)
        pltpu.sync_copy(a1_hbm.at[pl.ds(base, CS)], a1_c)

        def vec_iter(i, _):
            sl = pl.ds(i * L, L)
            t = tio_c[sl]
            a1v = a1_c[sl]
            g1 = plsc.load_gather(s1_v, [a0_c[sl]])
            g2 = plsc.load_gather(s2_v, [a1v])
            ev = g1 + g2
            ev = jnp.where(ev > 0, ev, ALPHA * ev)
            idv = (base + i * L + lane_iota).astype(jnp.float32)
            b = t >> 6
            rank, lastm = plsc.scan_count(b)
            basev = plsc.load_gather(off_a, [b])
            pos = basev + rank - 1
            addr = b * AC + pos
            plsc.store_scatter(a_ta, [addr], t * 16384 + a1v)
            plsc.store_scatter(a_id, [addr], idv)
            plsc.store_scatter(a_e, [addr], ev)
            plsc.store_scatter(off_a, [b], pos + 1, mask=lastm)
            return 0
        lax.fori_loop(0, CS // L, vec_iter, 0)
        return 0
    lax.fori_loop(0, SL // CS, scan_chunk, 0)

    pltpu.sync_copy(a_ta, stg_ta_hbm.at[wid])
    pltpu.sync_copy(a_id, stg_id_hbm.at[wid])
    pltpu.sync_copy(a_e, stg_e_hbm.at[wid])
    pltpu.sync_copy(off_a, counts_hbm.at[pl.ds(wid * L, L)])
    plsc.subcore_barrier()

    pltpu.sync_copy(counts_hbm, counts_v.at[pl.ds(0, NT * L)])
    for j in range(0, RPT + L, L):
        off_b[pl.ds(j, L)] = jnp.zeros((L,), jnp.int32)

    def src_iter(j, _):
        pltpu.sync_copy(stg_ta_hbm.at[j, pl.ds(wid * AC, AC)], sb_ta)
        pltpu.sync_copy(stg_id_hbm.at[j, pl.ds(wid * AC, AC)], sb_id)
        pltpu.sync_copy(stg_e_hbm.at[j, pl.ds(wid * AC, AC)], sb_e)
        cntv = plsc.load_gather(counts_v,
                                [jnp.full((L,), j * L + wid, jnp.int32)])

        def vec_iter(i, _):
            sl = pl.ds(i * L, L)
            mv = (i * L + lane_iota) < cntv
            ta = sb_ta[sl]
            t = ta >> 14
            col = ta & 16383
            bk = jnp.where(mv, t - lo, RPT)
            rank, lastm = plsc.scan_count(bk)
            basev = plsc.load_gather(off_b, [bk])
            pos = basev + rank - 1
            addr = bk * BC + pos
            plsc.store_scatter(b_col, [addr], col)
            plsc.store_scatter(b_id, [addr], sb_id[sl])
            plsc.store_scatter(b_e, [addr], sb_e[sl])
            plsc.store_scatter(off_b, [bk], pos + 1, mask=lastm & mv)
            return 0
        lax.fori_loop(0, AC // L, vec_iter, 0)
        return 0
    lax.fori_loop(0, NT, src_iter, 0)

    pltpu.sync_copy(b_col, bc_hbm.at[wid])
    pltpu.sync_copy(b_id, bi_hbm.at[wid])
    pltpu.sync_copy(b_e, be_hbm.at[wid])
    pltpu.sync_copy(off_b, offb_hbm.at[wid])


def _emit_tile(win_hbm, bc_hbm, bi_hbm, be_hbm, offb_hbm, att_hbm,
               b_col, b_id, b_e, off_b, winband):
    wid = lax.axis_index("s") + 0 * lax.axis_index("c")
    lo = wid * RPT
    lane_iota = lax.iota(jnp.int32, L)

    pltpu.sync_copy(bc_hbm.at[wid], b_col)
    pltpu.sync_copy(bi_hbm.at[wid], b_id)
    pltpu.sync_copy(be_hbm.at[wid], b_e)
    pltpu.sync_copy(offb_hbm.at[wid], off_b)

    def row_iter(bk, _):
        row = lo + bk
        pltpu.sync_copy(win_hbm.at[row], winband)
        cntv = plsc.load_gather(off_b, [jnp.full((L,), bk, jnp.int32)])
        base = bk * BC

        def pass1(i, _):
            sl = pl.ds(base + i * L, L)
            mv = (i * L + lane_iota) < cntv
            col = jnp.where(mv, b_col[sl], 0)
            wv = plsc.load_gather(winband, [col], mask=mv)
            keep = mv & (wv == b_id[sl])
            b_id[sl] = jnp.where(keep, b_id[sl], -3.0)
            return 0
        lax.fori_loop(0, BC // L, pass1, 0)

        def pass2(i, _):
            sl = pl.ds(base + i * L, L)
            mv = (i * L + lane_iota) < cntv
            keep = mv & (b_id[sl] >= 0)
            col = jnp.where(mv, b_col[sl], 0)
            plsc.store_scatter(winband, [col], b_e[sl], mask=keep)
            return 0
        lax.fori_loop(0, BC // L, pass2, 0)

        pltpu.sync_copy(winband, att_hbm.at[row])
        return 0
    lax.fori_loop(0, RPT, row_iter, 0)


_B = (RPT + 1) * BC
_OB = RPT + 1 + L - 1


def _build_attention(tio, adj0, adj1, win, s12):
    mesh = plsc.VectorSubcoreMesh(core_axis_name="c", subcore_axis_name="s",
                                  num_cores=1)
    k1 = functools.partial(
        pl.kernel,
        out_type=(
            jax.ShapeDtypeStruct((NT, NT * AC), jnp.int32),
            jax.ShapeDtypeStruct((NT, NT * AC), jnp.float32),
            jax.ShapeDtypeStruct((NT, NT * AC), jnp.float32),
            jax.ShapeDtypeStruct((NT * L,), jnp.int32),
            jax.ShapeDtypeStruct((NT, _B), jnp.int32),
            jax.ShapeDtypeStruct((NT, _B), jnp.float32),
            jax.ShapeDtypeStruct((NT, _B), jnp.float32),
            jax.ShapeDtypeStruct((NT, _OB), jnp.int32),
        ),
        mesh=mesh,
        compiler_params=pltpu.CompilerParams(needs_layout_passes=False,
                                             use_tc_tiling_on_sc=True),
        cost_estimate=pl.CostEstimate(
            flops=2_000_000, transcendentals=0, bytes_accessed=400_000_000),
        scratch_types=[
            pltpu.VMEM((N,), jnp.float32),
            pltpu.VMEM((N,), jnp.float32),
            pltpu.VMEM((CS,), jnp.int32),
            pltpu.VMEM((CS,), jnp.int32),
            pltpu.VMEM((CS,), jnp.int32),
            pltpu.VMEM((NT * AC,), jnp.int32),
            pltpu.VMEM((NT * AC,), jnp.float32),
            pltpu.VMEM((NT * AC,), jnp.float32),
            pltpu.VMEM((L,), jnp.int32),
            pltpu.VMEM((AC,), jnp.int32),
            pltpu.VMEM((AC,), jnp.float32),
            pltpu.VMEM((AC,), jnp.float32),
            pltpu.VMEM((NT * L + L,), jnp.int32),
            pltpu.VMEM((_B,), jnp.int32),
            pltpu.VMEM((_B,), jnp.float32),
            pltpu.VMEM((_B,), jnp.float32),
            pltpu.VMEM((_OB,), jnp.int32),
        ],
    )(_bucket_tile)
    _, _, _, _, bc, bi, be, offb = k1(tio, adj0, adj1, s12)

    k2 = functools.partial(
        pl.kernel,
        out_type=jax.ShapeDtypeStruct((T, N), jnp.float32),
        mesh=mesh,
        compiler_params=pltpu.CompilerParams(needs_layout_passes=False,
                                             use_tc_tiling_on_sc=True),
        scratch_types=[
            pltpu.VMEM((_B,), jnp.int32),
            pltpu.VMEM((_B,), jnp.float32),
            pltpu.VMEM((_B,), jnp.float32),
            pltpu.VMEM((_OB,), jnp.int32),
            pltpu.VMEM((N,), jnp.float32),
        ],
    )(_emit_tile)
    return k2(win, bc, bi, be, offb)


def kernel(features, adj, target_len, neighbor_len, target_index_out, W, a):
    h, s = _compute_h_s(features, W, a)
    ids = jnp.arange(E, dtype=jnp.float32)
    win = jnp.full((T, N), FILL, dtype=jnp.float32)
    win = win.at[target_index_out, adj[1]].set(ids)
    att = _build_attention(target_index_out, adj[0], adj[1], win,
                           _transpose_s(s))
    return _softmax_matmul(att, h)

# --- scband reference (transcript-rebuilt; emitter-appended) ---
"""Pipeline reference for scband-gatlayer-19155554140769 (READ-ONLY COPY).

The authoritative reference and input builder live on the scoring server;
editing this copy changes nothing except your own understanding.
"""

import jax, jax.numpy as jnp
import numpy as np

N = 10000
E = 160000
IN_DIM = 128
OUT_DIM = 128
TARGET_LEN = 1024
ALPHA = 0.2

def _xavier(key, shape, gain=1.414):
    fan_in, fan_out = shape[0], shape[1]
    bound = gain * np.sqrt(6.0 / (fan_in + fan_out))
    return jax.random.uniform(key, shape, dtype=jnp.float32, minval=-bound, maxval=bound)

def setup_inputs(seed: int = 0) -> dict:
    key = jax.random.key(seed)
    k1, k2, k3, k4, k5 = jax.random.split(key, 5)
    features = jax.random.normal(k1, (N, IN_DIM), dtype=jnp.float32)
    adj = jax.random.randint(k2, (2, E), 0, N, dtype=jnp.int32)
    target_index_out = jax.random.randint(k3, (E,), 0, TARGET_LEN, dtype=jnp.int32)
    W = _xavier(k4, (IN_DIM, OUT_DIM))
    a = _xavier(k5, (2 * OUT_DIM, 1))
    return {
        "features": features,
        "adj": adj,
        "target_len": TARGET_LEN,
        "neighbor_len": N,
        "target_index_out": target_index_out,
        "W": W,
        "a": a,
    }

def reference(features, adj, target_len, neighbor_len, target_index_out, W, a):
    # h = features @ W
    h = jnp.matmul(features, W)
    # gather source/dest node features per edge and concat
    compare = jnp.concatenate([h[adj[0]], h[adj[1]]], axis=1)
    # per-edge attention logit
    e = jax.nn.leaky_relu(jnp.matmul(compare, a), negative_slope=ALPHA).squeeze(1)
    # dense attention matrix filled with large negative, scatter-overwrite edge logits
    static_target_len = TARGET_LEN
    static_neighbor_len = features.shape[0]
    fill = jnp.asarray(-9000000000000000.0, dtype=jnp.float32) + 0 * (
        jnp.asarray(target_len) + jnp.asarray(neighbor_len)
    )
    attention = jnp.full((static_target_len, static_neighbor_len), fill, dtype=jnp.float32)
    attention = attention.at[target_index_out, adj[1]].set(e)
    attention = jax.nn.softmax(attention, axis=1)
    # dropout: eval mode / p=0.0 -> identity
    h_prime = jnp.matmul(attention, h)
    return jax.nn.elu(h_prime)

if __name__ == "__main__":
    import jax
    _d = setup_inputs()
    print(jax.jit(kernel)(*tuple(_d.values())))

</pallas_src>

<mosaic_0001>
#map = affine_map<(d0, d1) -> (0, 0)>
module attributes {stable_mosaic.version = 14 : i64} {
  func.func @_emit_tile(%arg0: i32, %arg1: i32, %arg2: memref<1024x10000xf32, #tpu.memory_space<hbm>>, %arg3: memref<16x16640xi32, #tpu.memory_space<hbm>>, %arg4: memref<16x16640xf32, #tpu.memory_space<hbm>>, %arg5: memref<16x16640xf32, #tpu.memory_space<hbm>>, %arg6: memref<16x80xi32, #tpu.memory_space<hbm>>, %arg7: memref<1024x10000xf32, #tpu.memory_space<hbm>>, %arg8: memref<16640xi32, #tpu.memory_space<vmem>>, %arg9: memref<16640xf32, #tpu.memory_space<vmem>>, %arg10: memref<16640xf32, #tpu.memory_space<vmem>>, %arg11: memref<80xi32, #tpu.memory_space<vmem>>, %arg12: memref<10000xf32, #tpu.memory_space<vmem>>) attributes {dimension_semantics = [#tpu.dimension_semantics<core_parallel>, #tpu.dimension_semantics<subcore_parallel>], iteration_bounds = array<i64: 1, 16>, scalar_prefetch = 0 : i64, scratch_operands = 5 : i64, tpu.core_type = #tpu.core_type<sc_vector_subcore>, window_params = [{transform_indices = #map}, {transform_indices = #map}, {transform_indices = #map}, {transform_indices = #map}, {transform_indices = #map}, {transform_indices = #map}]} {
    %mul3A = arith.constant 0 : i32
    %mul3A_0 = arith.muli %mul3A, %arg0 : i32
    %add3A = arith.addi %arg1, %mul3A_0 : i32
    %mul3A_1 = arith.constant 64 : i32
    %mul3A_2 = arith.muli %add3A, %mul3A_1 : i32
    %iota3A = tpu.iota {dimensions = array<i32: 0>} : vector<16xi32>
    "tpu.region"() ({
      %run_scoped3A = tpu.sem_alloc : memref<!tpu.dma_semaphore, #tpu.memory_space<semaphore_mem>>
      %dma_start3A = arith.constant 0 : i32
      %dma_start3A_9 = tpu.memref_slice %arg3[%add3A, %dma_start3A] : memref<16x16640xi32, #tpu.memory_space<hbm>> -> memref<1x16640xi32, #tpu.memory_space<hbm>>
      %dma_start3A_10 = tpu.memref_squeeze %dma_start3A_9 : memref<1x16640xi32, #tpu.memory_space<hbm>> -> memref<16640xi32, #tpu.memory_space<hbm>>
      %dma_start3A_11 = arith.constant 0 : i32
      %dma_start3A_12 = tpu.memref_slice %arg3[%add3A, %dma_start3A_11] : memref<16x16640xi32, #tpu.memory_space<hbm>> -> memref<1x16640xi32, #tpu.memory_space<hbm>>
      %dma_start3A_13 = tpu.memref_squeeze %dma_start3A_12 : memref<1x16640xi32, #tpu.memory_space<hbm>> -> memref<16640xi32, #tpu.memory_space<hbm>>
      tpu.enqueue_dma source(%dma_start3A_13 : memref<16640xi32, #tpu.memory_space<hbm>>) target(%arg8 : memref<16640xi32, #tpu.memory_space<vmem>>) target_semaphore(%run_scoped3A : memref<!tpu.dma_semaphore, #tpu.memory_space<semaphore_mem>>)
      %dma_wait3A = arith.constant 0 : i32
      %dma_wait3A_14 = tpu.memref_slice %arg3[%add3A, %dma_wait3A] : memref<16x16640xi32, #tpu.memory_space<hbm>> -> memref<1x16640xi32, #tpu.memory_space<hbm>>
      %dma_wait3A_15 = tpu.memref_squeeze %dma_wait3A_14 : memref<1x16640xi32, #tpu.memory_space<hbm>> -> memref<16640xi32, #tpu.memory_space<hbm>>
      %dma_wait3A_16 = arith.constant 0 : i32
      %dma_wait3A_17 = tpu.memref_slice %arg3[%add3A, %dma_wait3A_16] : memref<16x16640xi32, #tpu.memory_space<hbm>> -> memref<1x16640xi32, #tpu.memory_space<hbm>>
      %dma_wait3A_18 = tpu.memref_squeeze %dma_wait3A_17 : memref<1x16640xi32, #tpu.memory_space<hbm>> -> memref<16640xi32, #tpu.memory_space<hbm>>
      tpu.wait_dma2 semaphore(%run_scoped3A : memref<!tpu.dma_semaphore, #tpu.memory_space<semaphore_mem>>) src(%dma_wait3A_18 : memref<16640xi32, #tpu.memory_space<hbm>>) dst(%arg8 : memref<16640xi32, #tpu.memory_space<vmem>>)
      tpu.yield
    }) : () -> ()
    "tpu.region"() ({
      %run_scoped3A = tpu.sem_alloc : memref<!tpu.dma_semaphore, #tpu.memory_space<semaphore_mem>>
      %dma_start3A = arith.constant 0 : i32
      %dma_start3A_9 = tpu.memref_slice %arg4[%add3A, %dma_start3A] : memref<16x16640xf32, #tpu.memory_space<hbm>> -> memref<1x16640xf32, #tpu.memory_space<hbm>>
      %dma_start3A_10 = tpu.memref_squeeze %dma_start3A_9 : memref<1x16640xf32, #tpu.memory_space<hbm>> -> memref<16640xf32, #tpu.memory_space<hbm>>
      %dma_start3A_11 = arith.constant 0 : i32
      %dma_start3A_12 = tpu.memref_slice %arg4[%add3A, %dma_start3A_11] : memref<16x16640xf32, #tpu.memory_space<hbm>> -> memref<1x16640xf32, #tpu.memory_space<hbm>>
      %dma_start3A_13 = tpu.memref_squeeze %dma_start3A_12 : memref<1x16640xf32, #tpu.memory_space<hbm>> -> memref<16640xf32, #tpu.memory_space<hbm>>
      tpu.enqueue_dma source(%dma_start3A_13 : memref<16640xf32, #tpu.memory_space<hbm>>) target(%arg9 : memref<16640xf32, #tpu.memory_space<vmem>>) target_semaphore(%run_scoped3A : memref<!tpu.dma_semaphore, #tpu.memory_space<semaphore_mem>>)
      %dma_wait3A = arith.constant 0 : i32
      %dma_wait3A_14 = tpu.memref_slice %arg4[%add3A, %dma_wait3A] : memref<16x16640xf32, #tpu.memory_space<hbm>> -> memref<1x16640xf32, #tpu.memory_space<hbm>>
      %dma_wait3A_15 = tpu.memref_squeeze %dma_wait3A_14 : memref<1x16640xf32, #tpu.memory_space<hbm>> -> memref<16640xf32, #tpu.memory_space<hbm>>
      %dma_wait3A_16 = arith.constant 0 : i32
      %dma_wait3A_17 = tpu.memref_slice %arg4[%add3A, %dma_wait3A_16] : memref<16x16640xf32, #tpu.memory_space<hbm>> -> memref<1x16640xf32, #tpu.memory_space<hbm>>
      %dma_wait3A_18 = tpu.memref_squeeze %dma_wait3A_17 : memref<1x16640xf32, #tpu.memory_space<hbm>> -> memref<16640xf32, #tpu.memory_space<hbm>>
      tpu.wait_dma2 semaphore(%run_scoped3A : memref<!tpu.dma_semaphore, #tpu.memory_space<semaphore_mem>>) src(%dma_wait3A_18 : memref<16640xf32, #tpu.memory_space<hbm>>) dst(%arg9 : memref<16640xf32, #tpu.memory_space<vmem>>)
      tpu.yield
    }) : () -> ()
    "tpu.region"() ({
      %run_scoped3A = tpu.sem_alloc : memref<!tpu.dma_semaphore, #tpu.memory_space<semaphore_mem>>
      %dma_start3A = arith.constant 0 : i32
      %dma_start3A_9 = tpu.memref_slice %arg5[%add3A, %dma_start3A] : memref<16x16640xf32, #tpu.memory_space<hbm>> -> memref<1x16640xf32, #tpu.memory_space<hbm>>
      %dma_start3A_10 = tpu.memref_squeeze %dma_start3A_9 : memref<1x16640xf32, #tpu.memory_space<hbm>> -> memref<16640xf32, #tpu.memory_space<hbm>>
      %dma_start3A_11 = arith.constant 0 : i32
      %dma_start3A_12 = tpu.memref_slice %arg5[%add3A, %dma_start3A_11] : memref<16x16640xf32, #tpu.memory_space<hbm>> -> memref<1x16640xf32, #tpu.memory_space<hbm>>
      %dma_start3A_13 = tpu.memref_squeeze %dma_start3A_12 : memref<1x16640xf32, #tpu.memory_space<hbm>> -> memref<16640xf32, #tpu.memory_space<hbm>>
      tpu.enqueue_dma source(%dma_start3A_13 : memref<16640xf32, #tpu.memory_space<hbm>>) target(%arg10 : memref<16640xf32, #tpu.memory_space<vmem>>) target_semaphore(%run_scoped3A : memref<!tpu.dma_semaphore, #tpu.memory_space<semaphore_mem>>)
      %dma_wait3A = arith.constant 0 : i32
      %dma_wait3A_14 = tpu.memref_slice %arg5[%add3A, %dma_wait3A] : memref<16x16640xf32, #tpu.memory_space<hbm>> -> memref<1x16640xf32, #tpu.memory_space<hbm>>
      %dma_wait3A_15 = tpu.memref_squeeze %dma_wait3A_14 : memref<1x16640xf32, #tpu.memory_space<hbm>> -> memref<16640xf32, #tpu.memory_space<hbm>>
      %dma_wait3A_16 = arith.constant 0 : i32
      %dma_wait3A_17 = tpu.memref_slice %arg5[%add3A, %dma_wait3A_16] : memref<16x16640xf32, #tpu.memory_space<hbm>> -> memref<1x16640xf32, #tpu.memory_space<hbm>>
      %dma_wait3A_18 = tpu.memref_squeeze %dma_wait3A_17 : memref<1x16640xf32, #tpu.memory_space<hbm>> -> memref<16640xf32, #tpu.memory_space<hbm>>
      tpu.wait_dma2 semaphore(%run_scoped3A : memref<!tpu.dma_semaphore, #tpu.memory_space<semaphore_mem>>) src(%dma_wait3A_18 : memref<16640xf32, #tpu.memory_space<hbm>>) dst(%arg10 : memref<16640xf32, #tpu.memory_space<vmem>>)
      tpu.yield
    }) : () -> ()
    "tpu.region"() ({
      %run_scoped3A = tpu.sem_alloc : memref<!tpu.dma_semaphore, #tpu.memory_space<semaphore_mem>>
      %dma_start3A = arith.constant 0 : i32
      %dma_start3A_9 = tpu.memref_slice %arg6[%add3A, %dma_start3A] : memref<16x80xi32, #tpu.memory_space<hbm>> -> memref<1x80xi32, #tpu.memory_space<hbm>>
      %dma_start3A_10 = tpu.memref_squeeze %dma_start3A_9 : memref<1x80xi32, #tpu.memory_space<hbm>> -> memref<80xi32, #tpu.memory_space<hbm>>
      %dma_start3A_11 = arith.constant 0 : i32
      %dma_start3A_12 = tpu.memref_slice %arg6[%add3A, %dma_start3A_11] : memref<16x80xi32, #tpu.memory_space<hbm>> -> memref<1x80xi32, #tpu.memory_space<hbm>>
      %dma_start3A_13 = tpu.memref_squeeze %dma_start3A_12 : memref<1x80xi32, #tpu.memory_space<hbm>> -> memref<80xi32, #tpu.memory_space<hbm>>
      tpu.enqueue_dma source(%dma_start3A_13 : memref<80xi32, #tpu.memory_space<hbm>>) target(%arg11 : memref<80xi32, #tpu.memory_space<vmem>>) target_semaphore(%run_scoped3A : memref<!tpu.dma_semaphore, #tpu.memory_space<semaphore_mem>>)
      %dma_wait3A = arith.constant 0 : i32
      %dma_wait3A_14 = tpu.memref_slice %arg6[%add3A, %dma_wait3A] : memref<16x80xi32, #tpu.memory_space<hbm>> -> memref<1x80xi32, #tpu.memory_space<hbm>>
      %dma_wait3A_15 = tpu.memref_squeeze %dma_wait3A_14 : memref<1x80xi32, #tpu.memory_space<hbm>> -> memref<80xi32, #tpu.memory_space<hbm>>
      %dma_wait3A_16 = arith.constant 0 : i32
      %dma_wait3A_17 = tpu.memref_slice %arg6[%add3A, %dma_wait3A_16] : memref<16x80xi32, #tpu.memory_space<hbm>> -> memref<1x80xi32, #tpu.memory_space<hbm>>
      %dma_wait3A_18 = tpu.memref_squeeze %dma_wait3A_17 : memref<1x80xi32, #tpu.memory_space<hbm>> -> memref<80xi32, #tpu.memory_space<hbm>>
      tpu.wait_dma2 semaphore(%run_scoped3A : memref<!tpu.dma_semaphore, #tpu.memory_space<semaphore_mem>>) src(%dma_wait3A_18 : memref<80xi32, #tpu.memory_space<hbm>>) dst(%arg11 : memref<80xi32, #tpu.memory_space<vmem>>)
      tpu.yield
    }) : () -> ()
    %scan3A = arith.constant 0 : i32
    %scan3A_3 = arith.constant 0 : i32
    %scan3A_4 = arith.constant 64 : i32
    %scan3A_5 = arith.addi %scan3A_3, %scan3A_4 : i32
    %scan3A_6 = arith.constant 1 : i32
    %scan3A_7 = scf.for %scan3A_9 = %scan3A_3 to %scan3A_5 step %scan3A_6 iter_args(%scan3A_10 = %scan3A) -> (i32)  : i32 {
      %add3A_11 = arith.addi %mul3A_2, %scan3A_9 : i32
      "tpu.region"() ({
        %run_scoped3A = tpu.sem_alloc : memref<!tpu.dma_semaphore, #tpu.memory_space<semaphore_mem>>
        %dma_start3A = arith.constant 0 : i32
        %dma_start3A_29 = tpu.memref_slice %arg2[%add3A_11, %dma_start3A] : memref<1024x10000xf32, #tpu.memory_space<hbm>> -> memref<1x10000xf32, #tpu.memory_space<hbm>>
        %dma_start3A_30 = tpu.memref_squeeze %dma_start3A_29 : memref<1x10000xf32, #tpu.memory_space<hbm>> -> memref<10000xf32, #tpu.memory_space<hbm>>
        %dma_start3A_31 = arith.constant 0 : i32
        %dma_start3A_32 = tpu.memref_slice %arg2[%add3A_11, %dma_start3A_31] : memref<1024x10000xf32, #tpu.memory_space<hbm>> -> memref<1x10000xf32, #tpu.memory_space<hbm>>
        %dma_start3A_33 = tpu.memref_squeeze %dma_start3A_32 : memref<1x10000xf32, #tpu.memory_space<hbm>> -> memref<10000xf32, #tpu.memory_space<hbm>>
        tpu.enqueue_dma source(%dma_start3A_33 : memref<10000xf32, #tpu.memory_space<hbm>>) target(%arg12 : memref<10000xf32, #tpu.memory_space<vmem>>) target_semaphore(%run_scoped3A : memref<!tpu.dma_semaphore, #tpu.memory_space<semaphore_mem>>)
        %dma_wait3A = arith.constant 0 : i32
        %dma_wait3A_34 = tpu.memref_slice %arg2[%add3A_11, %dma_wait3A] : memref<1024x10000xf32, #tpu.memory_space<hbm>> -> memref<1x10000xf32, #tpu.memory_space<hbm>>
        %dma_wait3A_35 = tpu.memref_squeeze %dma_wait3A_34 : memref<1x10000xf32, #tpu.memory_space<hbm>> -> memref<10000xf32, #tpu.memory_space<hbm>>
        %dma_wait3A_36 = arith.constant 0 : i32
        %dma_wait3A_37 = tpu.memref_slice %arg2[%add3A_11, %dma_wait3A_36] : memref<1024x10000xf32, #tpu.memory_space<hbm>> -> memref<1x10000xf32, #tpu.memory_space<hbm>>
        %dma_wait3A_38 = tpu.memref_squeeze %dma_wait3A_37 : memref<1x10000xf32, #tpu.memory_space<hbm>> -> memref<10000xf32, #tpu.memory_space<hbm>>
        tpu.wait_dma2 semaphore(%run_scoped3A : memref<!tpu.dma_semaphore, #tpu.memory_space<semaphore_mem>>) src(%dma_wait3A_38 : memref<10000xf32, #tpu.memory_space<hbm>>) dst(%arg12 : memref<10000xf32, #tpu.memory_space<vmem>>)
        tpu.yield
      }) : () -> ()
      %broadcast_in_dim3A = vector.broadcast %scan3A_9 : i32 to vector<16xi32>
      %gather3A = tpu.vector_load_idx %arg11[%broadcast_in_dim3A] : memref<80xi32, #tpu.memory_space<vmem>>[vector<16xi32>], vector<16xi32>,
      %mul3A_12 = arith.constant 256 : i32
      %mul3A_13 = arith.muli %scan3A_9, %mul3A_12 : i32
      %scan3A_14 = arith.constant 0 : i32
      %scan3A_15 = arith.constant 0 : i32
      %scan3A_16 = arith.constant 16 : i32
      %scan3A_17 = arith.addi %scan3A_15, %scan3A_16 : i32
      %scan3A_18 = arith.constant 1 : i32
      %scan3A_19 = scf.for %scan3A_29 = %scan3A_15 to %scan3A_17 step %scan3A_18 iter_args(%scan3A_30 = %scan3A_14) -> (i32)  : i32 {
        %mul3A_31 = arith.constant 16 : i32
        %mul3A_32 = arith.muli %scan3A_29, %mul3A_31 : i32
        %add3A_33 = arith.addi %mul3A_13, %mul3A_32 : i32
        %mul3A_34 = arith.constant 16 : i32
        %mul3A_35 = arith.muli %scan3A_29, %mul3A_34 : i32
        %add3A_36 = vector.broadcast %mul3A_35 : i32 to vector<16xi32>
        %add3A_37 = arith.addi %add3A_36, %iota3A : vector<16xi32>
        %lt3A = arith.cmpi slt, %add3A_37, %gather3A : vector<16xi32>
        %get3A = arith.index_cast %add3A_33 : i32 to index
        %get3A_38 = tpu.vector_load %arg8[%get3A] {strides = array<i32>} : memref<16640xi32, #tpu.memory_space<vmem>>, vector<16xi32>,
        %jit3A = arith.constant 0 : i32
        %broadcast_in_dim3A_39 = vector.broadcast %jit3A : i32 to vector<16xi32>
        %select_n3A = arith.select %lt3A, %get3A_38, %broadcast_in_dim3A_39 : vector<16xi1>, vector<16xi32>
        %gather3A_40 = tpu.vector_load_idx %arg12[%select_n3A] masked %lt3A : memref<10000xf32, #tpu.memory_space<vmem>>[vector<16xi32>], vector<16xf32>, vector<16xi1>
        %get3A_41 = arith.index_cast %add3A_33 : i32 to index
        %get3A_42 = tpu.vector_load %arg9[%get3A_41] {strides = array<i32>} : memref<16640xf32, #tpu.memory_space<vmem>>, vector<16xf32>,
        %eq3A = arith.cmpf oeq, %gather3A_40, %get3A_42 : vector<16xf32>
        %and3A = arith.andi %lt3A, %eq3A : vector<16xi1>
        %get3A_43 = arith.index_cast %add3A_33 : i32 to index
        %get3A_44 = tpu.vector_load %arg9[%get3A_43] {strides = array<i32>} : memref<16640xf32, #tpu.memory_space<vmem>>, vector<16xf32>,
        %jit3A_45 = arith.constant -3.000000e+00 : f32
        %broadcast_in_dim3A_46 = vector.broadcast %jit3A_45 : f32 to vector<16xf32>
        %select_n3A_47 = arith.select %and3A, %get3A_44, %broadcast_in_dim3A_46 : vector<16xi1>, vector<16xf32>
        %swap3A = arith.index_cast %add3A_33 : i32 to index
        %swap3A_48 = tpu.vector_load %arg9[%swap3A] {strides = array<i32>} : memref<16640xf32, #tpu.memory_space<vmem>>, vector<16xf32>,
        tpu.vector_store %arg9[%swap3A], %select_n3A_47 {strides = array<i32>} : memref<16640xf32, #tpu.memory_space<vmem>>, vector<16xf32>,
        %scan3A_49 = arith.constant 0 : i32
        scf.yield %scan3A_49 : i32
      }
      %scan3A_20 = arith.constant 16 : i32
      %scan3A_21 = arith.constant 0 : i32
      %scan3A_22 = arith.constant 0 : i32
      %scan3A_23 = arith.constant 16 : i32
      %scan3A_24 = arith.addi %scan3A_22, %scan3A_23 : i32
      %scan3A_25 = arith.constant 1 : i32
      %scan3A_26 = scf.for %scan3A_29 = %scan3A_22 to %scan3A_24 step %scan3A_25 iter_args(%scan3A_30 = %scan3A_21) -> (i32)  : i32 {
        %mul3A_31 = arith.constant 16 : i32
        %mul3A_32 = arith.muli %scan3A_29, %mul3A_31 : i32
        %add3A_33 = arith.addi %mul3A_13, %mul3A_32 : i32
        %mul3A_34 = arith.constant 16 : i32
        %mul3A_35 = arith.muli %scan3A_29, %mul3A_34 : i32
        %add3A_36 = vector.broadcast %mul3A_35 : i32 to vector<16xi32>
        %add3A_37 = arith.addi %add3A_36, %iota3A : vector<16xi32>
        %lt3A = arith.cmpi slt, %add3A_37, %gather3A : vector<16xi32>
        %get3A = arith.index_cast %add3A_33 : i32 to index
        %get3A_38 = tpu.vector_load %arg9[%get3A] {strides = array<i32>} : memref<16640xf32, #tpu.memory_space<vmem>>, vector<16xf32>,
        %ge3A = arith.constant 0.000000e+00 : f32
        %ge3A_39 = vector.broadcast %ge3A : f32 to vector<16xf32>
        %ge3A_40 = arith.cmpf oge, %get3A_38, %ge3A_39 : vector<16xf32>
        %and3A = arith.andi %lt3A, %ge3A_40 : vector<16xi1>
        %get3A_41 = arith.index_cast %add3A_33 : i32 to index
        %get3A_42 = tpu.vector_load %arg8[%get3A_41] {strides = array<i32>} : memref<16640xi32, #tpu.memory_space<vmem>>, vector<16xi32>,
        %jit3A = arith.constant 0 : i32
        %broadcast_in_dim3A_43 = vector.broadcast %jit3A : i32 to vector<16xi32>
        %select_n3A = arith.select %lt3A, %get3A_42, %broadcast_in_dim3A_43 : vector<16xi1>, vector<16xi32>
        %get3A_44 = arith.index_cast %add3A_33 : i32 to index
        %get3A_45 = tpu.vector_load %arg10[%get3A_44] {strides = array<i32>} : memref<16640xf32, #tpu.memory_space<vmem>>, vector<16xf32>,
        tpu.vector_store_idx %arg12[%select_n3A], %get3A_45 masked %and3A : memref<10000xf32, #tpu.memory_space<vmem>>[vector<16xi32>], vector<16xf32>, vector<16xi1>
        %scan3A_46 = arith.constant 0 : i32
        scf.yield %scan3A_46 : i32
      }
      %scan3A_27 = arith.constant 16 : i32
      "tpu.region"() ({
        %run_scoped3A = tpu.sem_alloc : memref<!tpu.dma_semaphore, #tpu.memory_space<semaphore_mem>>
        %dma_start3A = arith.constant 0 : i32
        %dma_start3A_29 = tpu.memref_slice %arg7[%add3A_11, %dma_start3A] : memref<1024x10000xf32, #tpu.memory_space<hbm>> -> memref<1x10000xf32, #tpu.memory_space<hbm>>
        %dma_start3A_30 = tpu.memref_squeeze %dma_start3A_29 : memref<1x10000xf32, #tpu.memory_space<hbm>> -> memref<10000xf32, #tpu.memory_space<hbm>>
        %dma_start3A_31 = arith.constant 0 : i32
        %dma_start3A_32 = tpu.memref_slice %arg7[%add3A_11, %dma_start3A_31] : memref<1024x10000xf32, #tpu.memory_space<hbm>> -> memref<1x10000xf32, #tpu.memory_space<hbm>>
        %dma_start3A_33 = tpu.memref_squeeze %dma_start3A_32 : memref<1x10000xf32, #tpu.memory_space<hbm>> -> memref<10000xf32, #tpu.memory_space<hbm>>
        tpu.enqueue_dma source(%arg12 : memref<10000xf32, #tpu.memory_space<vmem>>) target(%dma_start3A_33 : memref<10000xf32, #tpu.memory_space<hbm>>) target_semaphore(%run_scoped3A : memref<!tpu.dma_semaphore, #tpu.memory_space<semaphore_mem>>)
        %dma_wait3A = arith.constant 0 : i32
        %dma_wait3A_34 = tpu.memref_slice %arg7[%add3A_11, %dma_wait3A] : memref<1024x10000xf32, #tpu.memory_space<hbm>> -> memref<1x10000xf32, #tpu.memory_space<hbm>>
        %dma_wait3A_35 = tpu.memref_squeeze %dma_wait3A_34 : memref<1x10000xf32, #tpu.memory_space<hbm>> -> memref<10000xf32, #tpu.memory_space<hbm>>
        %dma_wait3A_36 = arith.constant 0 : i32
        %dma_wait3A_37 = tpu.memref_slice %arg7[%add3A_11, %dma_wait3A_36] : memref<1024x10000xf32, #tpu.memory_space<hbm>> -> memref<1x10000xf32, #tpu.memory_space<hbm>>
        %dma_wait3A_38 = tpu.memref_squeeze %dma_wait3A_37 : memref<1x10000xf32, #tpu.memory_space<hbm>> -> memref<10000xf32, #tpu.memory_space<hbm>>
        tpu.wait_dma2 semaphore(%run_scoped3A : memref<!tpu.dma_semaphore, #tpu.memory_space<semaphore_mem>>) src(%arg12 : memref<10000xf32, #tpu.memory_space<vmem>>) dst(%dma_wait3A_38 : memref<10000xf32, #tpu.memory_space<hbm>>)
        tpu.yield
      }) : () -> ()
      %scan3A_28 = arith.constant 0 : i32
      scf.yield %scan3A_28 : i32
    }
    %scan3A_8 = arith.constant 64 : i32
    return
  }
}

#map = affine_map<(d0, d1) -> (0)>
#map1 = affine_map<(d0, d1) -> (0, 0)>
module attributes {stable_mosaic.version = 14 : i64} {
  func.func @_bucket_tile(%arg0: i32, %arg1: i32, %arg2: memref<160000xi32, #tpu.memory_space<hbm>>, %arg3: memref<160000xi32, #tpu.memory_space<hbm>>, %arg4: memref<160000xi32, #tpu.memory_space<hbm>>, %arg5: memref<2x10000xf32, #tpu.memory_space<hbm>>, %arg6: memref<16x12288xi32, #tpu.memory_space<hbm>>, %arg7: memref<16x12288xf32, #tpu.memory_space<hbm>>, %arg8: memref<16x12288xf32, #tpu.memory_space<hbm>>, %arg9: memref<256xi32, #tpu.memory_space<hbm>>, %arg10: memref<16x16640xi32, #tpu.memory_space<hbm>>, %arg11: memref<16x16640xf32, #tpu.memory_space<hbm>>, %arg12: memref<16x16640xf32, #tpu.memory_space<hbm>>, %arg13: memref<16x80xi32, #tpu.memory_space<hbm>>, %arg14: memref<10000xf32, #tpu.memory_space<vmem>>, %arg15: memref<10000xf32, #tpu.memory_space<vmem>>, %arg16: memref<2000xi32, #tpu.memory_space<vmem>>, %arg17: memref<2000xi32, #tpu.memory_space<vmem>>, %arg18: memref<2000xi32, #tpu.memory_space<vmem>>, %arg19: memref<12288xi32, #tpu.memory_space<vmem>>, %arg20: memref<12288xf32, #tpu.memory_space<vmem>>, %arg21: memref<12288xf32, #tpu.memory_space<vmem>>, %arg22: memref<16xi32, #tpu.memory_space<vmem>>, %arg23: memref<768xi32, #tpu.memory_space<vmem>>, %arg24: memref<768xf32, #tpu.memory_space<vmem>>, %arg25: memref<768xf32, #tpu.memory_space<vmem>>, %arg26: memref<272xi32, #tpu.memory_space<vmem>>, %arg27: memref<16640xi32, #tpu.memory_space<vmem>>, %arg28: memref<16640xf32, #tpu.memory_space<vmem>>, %arg29: memref<16640xf32, #tpu.memory_space<vmem>>, %arg30: memref<80xi32, #tpu.memory_space<vmem>>) attributes {dimension_semantics = [#tpu.dimension_semantics<core_parallel>, #tpu.dimension_semantics<subcore_parallel>], iteration_bounds = array<i64: 1, 16>, scalar_prefetch = 0 : i64, scratch_operands = 17 : i64, tpu.core_type = #tpu.core_type<sc_vector_subcore>, window_params = [{transform_indices = #map}, {transform_indices = #map}, {transform_indices = #map}, {transform_indices = #map1}, {transform_indices = #map1}, {transform_indices = #map1}, {transform_indices = #map1}, {transform_indices = #map}, {transform_indices = #map1}, {transform_indices = #map1}, {transform_indices = #map1}, {transform_indices = #map1}]} {
    %mul3A = arith.constant 0 : i32
    %mul3A_0 = arith.muli %mul3A, %arg0 : i32
    %add3A = arith.addi %arg1, %mul3A_0 : i32
    %mul3A_1 = arith.constant 64 : i32
    %mul3A_2 = arith.muli %add3A, %mul3A_1 : i32
    %iota3A = tpu.iota {dimensions = array<i32: 0>} : vector<16xi32>
    %run_scoped3A = arith.constant 0 : i32
    "tpu.region"() ({
      %run_scoped3A_41 = tpu.sem_alloc : memref<!tpu.dma_semaphore, #tpu.memory_space<semaphore_mem>>
      %dma_start3A = arith.constant 0 : i32
      %dma_start3A_42 = tpu.memref_slice %arg5[%run_scoped3A, %dma_start3A] : memref<2x10000xf32, #tpu.memory_space<hbm>> -> memref<1x10000xf32, #tpu.memory_space<hbm>>
      %dma_start3A_43 = tpu.memref_squeeze %dma_start3A_42 : memref<1x10000xf32, #tpu.memory_space<hbm>> -> memref<10000xf32, #tpu.memory_space<hbm>>
      %dma_start3A_44 = arith.constant 0 : i32
      %dma_start3A_45 = tpu.memref_slice %arg5[%run_scoped3A, %dma_start3A_44] : memref<2x10000xf32, #tpu.memory_space<hbm>> -> memref<1x10000xf32, #tpu.memory_space<hbm>>
      %dma_start3A_46 = tpu.memref_squeeze %dma_start3A_45 : memref<1x10000xf32, #tpu.memory_space<hbm>> -> memref<10000xf32, #tpu.memory_space<hbm>>
      tpu.enqueue_dma source(%dma_start3A_46 : memref<10000xf32, #tpu.memory_space<hbm>>) target(%arg14 : memref<10000xf32, #tpu.memory_space<vmem>>) target_semaphore(%run_scoped3A_41 : memref<!tpu.dma_semaphore, #tpu.memory_space<semaphore_mem>>)
      %dma_wait3A = arith.constant 0 : i32
      %dma_wait3A_47 = tpu.memref_slice %arg5[%run_scoped3A, %dma_wait3A] : memref<2x10000xf32, #tpu.memory_space<hbm>> -> memref<1x10000xf32, #tpu.memory_space<hbm>>
      %dma_wait3A_48 = tpu.memref_squeeze %dma_wait3A_47 : memref<1x10000xf32, #tpu.memory_space<hbm>> -> memref<10000xf32, #tpu.memory_space<hbm>>
      %dma_wait3A_49 = arith.constant 0 : i32
      %dma_wait3A_50 = tpu.memref_slice %arg5[%run_scoped3A, %dma_wait3A_49] : memref<2x10000xf32, #tpu.memory_space<hbm>> -> memref<1x10000xf32, #tpu.memory_space<hbm>>
      %dma_wait3A_51 = tpu.memref_squeeze %dma_wait3A_50 : memref<1x10000xf32, #tpu.memory_space<hbm>> -> memref<10000xf32, #tpu.memory_space<hbm>>
      tpu.wait_dma2 semaphore(%run_scoped3A_41 : memref<!tpu.dma_semaphore, #tpu.memory_space<semaphore_mem>>) src(%dma_wait3A_51 : memref<10000xf32, #tpu.memory_space<hbm>>) dst(%arg14 : memref<10000xf32, #tpu.memory_space<vmem>>)
      tpu.yield
    }) : () -> ()
    %run_scoped3A_3 = arith.constant 1 : i32
    "tpu.region"() ({
      %run_scoped3A_41 = tpu.sem_alloc : memref<!tpu.dma_semaphore, #tpu.memory_space<semaphore_mem>>
      %dma_start3A = arith.constant 0 : i32
      %dma_start3A_42 = tpu.memref_slice %arg5[%run_scoped3A_3, %dma_start3A] : memref<2x10000xf32, #tpu.memory_space<hbm>> -> memref<1x10000xf32, #tpu.memory_space<hbm>>
      %dma_start3A_43 = tpu.memref_squeeze %dma_start3A_42 : memref<1x10000xf32, #tpu.memory_space<hbm>> -> memref<10000xf32, #tpu.memory_space<hbm>>
      %dma_start3A_44 = arith.constant 0 : i32
      %dma_start3A_45 = tpu.memref_slice %arg5[%run_scoped3A_3, %dma_start3A_44] : memref<2x10000xf32, #tpu.memory_space<hbm>> -> memref<1x10000xf32, #tpu.memory_space<hbm>>
      %dma_start3A_46 = tpu.memref_squeeze %dma_start3A_45 : memref<1x10000xf32, #tpu.memory_space<hbm>> -> memref<10000xf32, #tpu.memory_space<hbm>>
      tpu.enqueue_dma source(%dma_start3A_46 : memref<10000xf32, #tpu.memory_space<hbm>>) target(%arg15 : memref<10000xf32, #tpu.memory_space<vmem>>) target_semaphore(%run_scoped3A_41 : memref<!tpu.dma_semaphore, #tpu.memory_space<semaphore_mem>>)
      %dma_wait3A = arith.constant 0 : i32
      %dma_wait3A_47 = tpu.memref_slice %arg5[%run_scoped3A_3, %dma_wait3A] : memref<2x10000xf32, #tpu.memory_space<hbm>> -> memref<1x10000xf32, #tpu.memory_space<hbm>>
      %dma_wait3A_48 = tpu.memref_squeeze %dma_wait3A_47 : memref<1x10000xf32, #tpu.memory_space<hbm>> -> memref<10000xf32, #tpu.memory_space<hbm>>
      %dma_wait3A_49 = arith.constant 0 : i32
      %dma_wait3A_50 = tpu.memref_slice %arg5[%run_scoped3A_3, %dma_wait3A_49] : memref<2x10000xf32, #tpu.memory_space<hbm>> -> memref<1x10000xf32, #tpu.memory_space<hbm>>
      %dma_wait3A_51 = tpu.memref_squeeze %dma_wait3A_50 : memref<1x10000xf32, #tpu.memory_space<hbm>> -> memref<10000xf32, #tpu.memory_space<hbm>>
      tpu.wait_dma2 semaphore(%run_scoped3A_41 : memref<!tpu.dma_semaphore, #tpu.memory_space<semaphore_mem>>) src(%dma_wait3A_51 : memref<10000xf32, #tpu.memory_space<hbm>>) dst(%arg15 : memref<10000xf32, #tpu.memory_space<vmem>>)
      tpu.yield
    }) : () -> ()
    %broadcast_in_dim3A = arith.constant 0 : i32
    %broadcast_in_dim3A_4 = vector.broadcast %broadcast_in_dim3A : i32 to vector<16xi32>
    %swap3A = arith.constant 0 : index
    %swap3A_5 = tpu.vector_load %arg22[%swap3A] {strides = array<i32>} : memref<16xi32, #tpu.memory_space<vmem>>, vector<16xi32>,
    tpu.vector_store %arg22[%swap3A], %broadcast_in_dim3A_4 {strides = array<i32>} : memref<16xi32, #tpu.memory_space<vmem>>, vector<16xi32>,
    %scan3A = arith.constant 0 : i32
    %scan3A_6 = arith.constant 0 : i32
    %scan3A_7 = arith.constant 5 : i32
    %scan3A_8 = arith.addi %scan3A_6, %scan3A_7 : i32
    %scan3A_9 = arith.constant 1 : i32
    %scan3A_10 = scf.for %scan3A_41 = %scan3A_6 to %scan3A_8 step %scan3A_9 iter_args(%scan3A_42 = %scan3A) -> (i32)  : i32 {
      %mul3A_43 = arith.constant 10000 : i32
      %mul3A_44 = arith.muli %add3A, %mul3A_43 : i32
      %mul3A_45 = arith.constant 2000 : i32
      %mul3A_46 = arith.muli %scan3A_41, %mul3A_45 : i32
      %add3A_47 = arith.addi %mul3A_44, %mul3A_46 : i32
      "tpu.region"() ({
        %run_scoped3A_56 = tpu.sem_alloc : memref<!tpu.dma_semaphore, #tpu.memory_space<semaphore_mem>>
        %dma_start3A = tpu.memref_slice %arg2[%add3A_47] : memref<160000xi32, #tpu.memory_space<hbm>> -> memref<2000xi32, #tpu.memory_space<hbm>>
        %dma_start3A_57 = tpu.memref_slice %arg2[%add3A_47] : memref<160000xi32, #tpu.memory_space<hbm>> -> memref<2000xi32, #tpu.memory_space<hbm>>
        tpu.enqueue_dma source(%dma_start3A_57 : memref<2000xi32, #tpu.memory_space<hbm>>) target(%arg16 : memref<2000xi32, #tpu.memory_space<vmem>>) target_semaphore(%run_scoped3A_56 : memref<!tpu.dma_semaphore, #tpu.memory_space<semaphore_mem>>)
        %dma_wait3A = tpu.memref_slice %arg2[%add3A_47] : memref<160000xi32, #tpu.memory_space<hbm>> -> memref<2000xi32, #tpu.memory_space<hbm>>
        %dma_wait3A_58 = tpu.memref_slice %arg2[%add3A_47] : memref<160000xi32, #tpu.memory_space<hbm>> -> memref<2000xi32, #tpu.memory_space<hbm>>
        tpu.wait_dma2 semaphore(%run_scoped3A_56 : memref<!tpu.dma_semaphore, #tpu.memory_space<semaphore_mem>>) src(%dma_wait3A_58 : memref<2000xi32, #tpu.memory_space<hbm>>) dst(%arg16 : memref<2000xi32, #tpu.memory_space<vmem>>)
        tpu.yield
      }) : () -> ()
      "tpu.region"() ({
        %run_scoped3A_56 = tpu.sem_alloc : memref<!tpu.dma_semaphore, #tpu.memory_space<semaphore_mem>>
        %dma_start3A = tpu.memref_slice %arg3[%add3A_47] : memref<160000xi32, #tpu.memory_space<hbm>> -> memref<2000xi32, #tpu.memory_space<hbm>>
        %dma_start3A_57 = tpu.memref_slice %arg3[%add3A_47] : memref<160000xi32, #tpu.memory_space<hbm>> -> memref<2000xi32, #tpu.memory_space<hbm>>
        tpu.enqueue_dma source(%dma_start3A_57 : memref<2000xi32, #tpu.memory_space<hbm>>) target(%arg17 : memref<2000xi32, #tpu.memory_space<vmem>>) target_semaphore(%run_scoped3A_56 : memref<!tpu.dma_semaphore, #tpu.memory_space<semaphore_mem>>)
        %dma_wait3A = tpu.memref_slice %arg3[%add3A_47] : memref<160000xi32, #tpu.memory_space<hbm>> -> memref<2000xi32, #tpu.memory_space<hbm>>
        %dma_wait3A_58 = tpu.memref_slice %arg3[%add3A_47] : memref<160000xi32, #tpu.memory_space<hbm>> -> memref<2000xi32, #tpu.memory_space<hbm>>
        tpu.wait_dma2 semaphore(%run_scoped3A_56 : memref<!tpu.dma_semaphore, #tpu.memory_space<semaphore_mem>>) src(%dma_wait3A_58 : memref<2000xi32, #tpu.memory_space<hbm>>) dst(%arg17 : memref<2000xi32, #tpu.memory_space<vmem>>)
        tpu.yield
      }) : () -> ()
      "tpu.region"() ({
        %run_scoped3A_56 = tpu.sem_alloc : memref<!tpu.dma_semaphore, #tpu.memory_space<semaphore_mem>>
        %dma_start3A = tpu.memref_slice %arg4[%add3A_47] : memref<160000xi32, #tpu.memory_space<hbm>> -> memref<2000xi32, #tpu.memory_space<hbm>>
        %dma_start3A_57 = tpu.memref_slice %arg4[%add3A_47] : memref<160000xi32, #tpu.memory_space<hbm>> -> memref<2000xi32, #tpu.memory_space<hbm>>
        tpu.enqueue_dma source(%dma_start3A_57 : memref<2000xi32, #tpu.memory_space<hbm>>) target(%arg18 : memref<2000xi32, #tpu.memory_space<vmem>>) target_semaphore(%run_scoped3A_56 : memref<!tpu.dma_semaphore, #tpu.memory_space<semaphore_mem>>)
        %dma_wait3A = tpu.memref_slice %arg4[%add3A_47] : memref<160000xi32, #tpu.memory_space<hbm>> -> memref<2000xi32, #tpu.memory_space<hbm>>
        %dma_wait3A_58 = tpu.memref_slice %arg4[%add3A_47] : memref<160000xi32, #tpu.memory_space<hbm>> -> memref<2000xi32, #tpu.memory_space<hbm>>
        tpu.wait_dma2 semaphore(%run_scoped3A_56 : memref<!tpu.dma_semaphore, #tpu.memory_space<semaphore_mem>>) src(%dma_wait3A_58 : memref<2000xi32, #tpu.memory_space<hbm>>) dst(%arg18 : memref<2000xi32, #tpu.memory_space<vmem>>)
        tpu.yield
      }) : () -> ()
      %scan3A_48 = arith.constant 0 : i32
      %scan3A_49 = arith.constant 0 : i32
      %scan3A_50 = arith.constant 125 : i32
      %scan3A_51 = arith.addi %scan3A_49, %scan3A_50 : i32
      %scan3A_52 = arith.constant 1 : i32
      %scan3A_53 = scf.for %scan3A_56 = %scan3A_49 to %scan3A_51 step %scan3A_52 iter_args(%scan3A_57 = %scan3A_48) -> (i32)  : i32 {
        %mul3A_58 = arith.constant 16 : i32
        %mul3A_59 = arith.muli %scan3A_56, %mul3A_58 : i32
        %get3A = arith.index_cast %mul3A_59 : i32 to index
        %get3A_60 = tpu.vector_load %arg16[%get3A] {strides = array<i32>} : memref<2000xi32, #tpu.memory_space<vmem>>, vector<16xi32>,
        %get3A_61 = arith.index_cast %mul3A_59 : i32 to index
        %get3A_62 = tpu.vector_load %arg18[%get3A_61] {strides = array<i32>} : memref<2000xi32, #tpu.memory_space<vmem>>, vector<16xi32>,
        %get3A_63 = arith.index_cast %mul3A_59 : i32 to index
        %get3A_64 = tpu.vector_load %arg17[%get3A_63] {strides = array<i32>} : memref<2000xi32, #tpu.memory_space<vmem>>, vector<16xi32>,
        %gather3A = tpu.vector_load_idx %arg14[%get3A_64] : memref<10000xf32, #tpu.memory_space<vmem>>[vector<16xi32>], vector<16xf32>,
        %gather3A_65 = tpu.vector_load_idx %arg15[%get3A_62] : memref<10000xf32, #tpu.memory_space<vmem>>[vector<16xi32>], vector<16xf32>,
        %add3A_66 = arith.addf %gather3A, %gather3A_65 : vector<16xf32>
        %gt3A = arith.constant 0.000000e+00 : f32
        %gt3A_67 = vector.broadcast %gt3A : f32 to vector<16xf32>
        %gt3A_68 = arith.cmpf ogt, %add3A_66, %gt3A_67 : vector<16xf32>
        %mul3A_69 = arith.constant 2.000000e-01 : f32
        %mul3A_70 = vector.broadcast %mul3A_69 : f32 to vector<16xf32>
        %mul3A_71 = arith.mulf %mul3A_70, %add3A_66 : vector<16xf32>
        %select_n3A = arith.select %gt3A_68, %add3A_66, %mul3A_71 : vector<16xi1>, vector<16xf32>
        %mul3A_72 = arith.constant 16 : i32
        %mul3A_73 = arith.muli %scan3A_56, %mul3A_72 : i32
        %add3A_74 = arith.addi %add3A_47, %mul3A_73 : i32
        %add3A_75 = vector.broadcast %add3A_74 : i32 to vector<16xi32>
        %add3A_76 = arith.addi %add3A_75, %iota3A : vector<16xi32>
        %convert_element_type3A = arith.sitofp %add3A_76 : vector<16xi32> to vector<16xf32>
        %shift_right_arithmetic3A = arith.constant 6 : i32
        %shift_right_arithmetic3A_77 = vector.broadcast %shift_right_arithmetic3A : i32 to vector<16xi32>
        %shift_right_arithmetic3A_78 = arith.shrsi %get3A_60, %shift_right_arithmetic3A_77 : vector<16xi32>
        %broadcast_in_dim3A_79 = arith.constant true
        %broadcast_in_dim3A_80 = vector.broadcast %broadcast_in_dim3A_79 : i1 to vector<16xi1>
        %unique3A, %unique3A_81 = tpu.scan_count mask(%broadcast_in_dim3A_80 : vector<16xi1>) value(%shift_right_arithmetic3A_78 : vector<16xi32>) : vector<16xi1>, vector<16xi32>
        %gather3A_82 = tpu.vector_load_idx %arg22[%shift_right_arithmetic3A_78] : memref<16xi32, #tpu.memory_space<vmem>>[vector<16xi32>], vector<16xi32>,
        %add3A_83 = arith.addi %gather3A_82, %unique3A_81 : vector<16xi32>
        %sub3A = arith.constant 1 : i32
        %sub3A_84 = vector.broadcast %sub3A : i32 to vector<16xi32>
        %sub3A_85 = arith.subi %add3A_83, %sub3A_84 : vector<16xi32>
        %mul3A_86 = arith.constant 768 : i32
        %mul3A_87 = vector.broadcast %mul3A_86 : i32 to vector<16xi32>
        %mul3A_88 = arith.muli %shift_right_arithmetic3A_78, %mul3A_87 : vector<16xi32>
        %add3A_89 = arith.addi %mul3A_88, %sub3A_85 : vector<16xi32>
        %mul3A_90 = arith.constant 16384 : i32
        %mul3A_91 = vector.broadcast %mul3A_90 : i32 to vector<16xi32>
        %mul3A_92 = arith.muli %get3A_60, %mul3A_91 : vector<16xi32>
        %add3A_93 = arith.addi %mul3A_92, %get3A_62 : vector<16xi32>
        tpu.vector_store_idx %arg19[%add3A_89], %add3A_93 : memref<12288xi32, #tpu.memory_space<vmem>>[vector<16xi32>], vector<16xi32>,
        tpu.vector_store_idx %arg20[%add3A_89], %convert_element_type3A : memref<12288xf32, #tpu.memory_space<vmem>>[vector<16xi32>], vector<16xf32>,
        tpu.vector_store_idx %arg21[%add3A_89], %select_n3A : memref<12288xf32, #tpu.memory_space<vmem>>[vector<16xi32>], vector<16xf32>,
        %add3A_94 = arith.constant 1 : i32
        %add3A_95 = vector.broadcast %add3A_94 : i32 to vector<16xi32>
        %add3A_96 = arith.addi %sub3A_85, %add3A_95 : vector<16xi32>
        tpu.vector_store_idx %arg22[%shift_right_arithmetic3A_78], %add3A_96 masked %unique3A : memref<16xi32, #tpu.memory_space<vmem>>[vector<16xi32>], vector<16xi32>, vector<16xi1>
        %scan3A_97 = arith.constant 0 : i32
        scf.yield %scan3A_97 : i32
      }
      %scan3A_54 = arith.constant 125 : i32
      %scan3A_55 = arith.constant 0 : i32
      scf.yield %scan3A_55 : i32
    }
    %scan3A_11 = arith.constant 5 : i32
    "tpu.region"() ({
      %run_scoped3A_41 = tpu.sem_alloc : memref<!tpu.dma_semaphore, #tpu.memory_space<semaphore_mem>>
      %dma_start3A = arith.constant 0 : i32
      %dma_start3A_42 = tpu.memref_slice %arg6[%add3A, %dma_start3A] : memref<16x12288xi32, #tpu.memory_space<hbm>> -> memref<1x12288xi32, #tpu.memory_space<hbm>>
      %dma_start3A_43 = tpu.memref_squeeze %dma_start3A_42 : memref<1x12288xi32, #tpu.memory_space<hbm>> -> memref<12288xi32, #tpu.memory_space<hbm>>
      %dma_start3A_44 = arith.constant 0 : i32
      %dma_start3A_45 = tpu.memref_slice %arg6[%add3A, %dma_start3A_44] : memref<16x12288xi32, #tpu.memory_space<hbm>> -> memref<1x12288xi32, #tpu.memory_space<hbm>>
      %dma_start3A_46 = tpu.memref_squeeze %dma_start3A_45 : memref<1x12288xi32, #tpu.memory_space<hbm>> -> memref<12288xi32, #tpu.memory_space<hbm>>
      tpu.enqueue_dma source(%arg19 : memref<12288xi32, #tpu.memory_space<vmem>>) target(%dma_start3A_46 : memref<12288xi32, #tpu.memory_space<hbm>>) target_semaphore(%run_scoped3A_41 : memref<!tpu.dma_semaphore, #tpu.memory_space<semaphore_mem>>)
      %dma_wait3A = arith.constant 0 : i32
      %dma_wait3A_47 = tpu.memref_slice %arg6[%add3A, %dma_wait3A] : memref<16x12288xi32, #tpu.memory_space<hbm>> -> memref<1x12288xi32, #tpu.memory_space<hbm>>
      %dma_wait3A_48 = tpu.memref_squeeze %dma_wait3A_47 : memref<1x12288xi32, #tpu.memory_space<hbm>> -> memref<12288xi32, #tpu.memory_space<hbm>>
      %dma_wait3A_49 = arith.constant 0 : i32
      %dma_wait3A_50 = tpu.memref_slice %arg6[%add3A, %dma_wait3A_49] : memref<16x12288xi32, #tpu.memory_space<hbm>> -> memref<1x12288xi32, #tpu.memory_space<hbm>>
      %dma_wait3A_51 = tpu.memref_squeeze %dma_wait3A_50 : memref<1x12288xi32, #tpu.memory_space<hbm>> -> memref<12288xi32, #tpu.memory_space<hbm>>
      tpu.wait_dma2 semaphore(%run_scoped3A_41 : memref<!tpu.dma_semaphore, #tpu.memory_space<semaphore_mem>>) src(%arg19 : memref<12288xi32, #tpu.memory_space<vmem>>) dst(%dma_wait3A_51 : memref<12288xi32, #tpu.memory_space<hbm>>)
      tpu.yield
    }) : () -> ()
    "tpu.region"() ({
      %run_scoped3A_41 = tpu.sem_alloc : memref<!tpu.dma_semaphore, #tpu.memory_space<semaphore_mem>>
      %dma_start3A = arith.constant 0 : i32
      %dma_start3A_42 = tpu.memref_slice %arg7[%add3A, %dma_start3A] : memref<16x12288xf32, #tpu.memory_space<hbm>> -> memref<1x12288xf32, #tpu.memory_space<hbm>>
      %dma_start3A_43 = tpu.memref_squeeze %dma_start3A_42 : memref<1x12288xf32, #tpu.memory_space<hbm>> -> memref<12288xf32, #tpu.memory_space<hbm>>
      %dma_start3A_44 = arith.constant 0 : i32
      %dma_start3A_45 = tpu.memref_slice %arg7[%add3A, %dma_start3A_44] : memref<16x12288xf32, #tpu.memory_space<hbm>> -> memref<1x12288xf32, #tpu.memory_space<hbm>>
      %dma_start3A_46 = tpu.memref_squeeze %dma_start3A_45 : memref<1x12288xf32, #tpu.memory_space<hbm>> -> memref<12288xf32, #tpu.memory_space<hbm>>
      tpu.enqueue_dma source(%arg20 : memref<12288xf32, #tpu.memory_space<vmem>>) target(%dma_start3A_46 : memref<12288xf32, #tpu.memory_space<hbm>>) target_semaphore(%run_scoped3A_41 : memref<!tpu.dma_semaphore, #tpu.memory_space<semaphore_mem>>)
      %dma_wait3A = arith.constant 0 : i32
      %dma_wait3A_47 = tpu.memref_slice %arg7[%add3A, %dma_wait3A] : memref<16x12288xf32, #tpu.memory_space<hbm>> -> memref<1x12288xf32, #tpu.memory_space<hbm>>
      %dma_wait3A_48 = tpu.memref_squeeze %dma_wait3A_47 : memref<1x12288xf32, #tpu.memory_space<hbm>> -> memref<12288xf32, #tpu.memory_space<hbm>>
      %dma_wait3A_49 = arith.constant 0 : i32
      %dma_wait3A_50 = tpu.memref_slice %arg7[%add3A, %dma_wait3A_49] : memref<16x12288xf32, #tpu.memory_space<hbm>> -> memref<1x12288xf32, #tpu.memory_space<hbm>>
      %dma_wait3A_51 = tpu.memref_squeeze %dma_wait3A_50 : memref<1x12288xf32, #tpu.memory_space<hbm>> -> memref<12288xf32, #tpu.memory_space<hbm>>
      tpu.wait_dma2 semaphore(%run_scoped3A_41 : memref<!tpu.dma_semaphore, #tpu.memory_space<semaphore_mem>>) src(%arg20 : memref<12288xf32, #tpu.memory_space<vmem>>) dst(%dma_wait3A_51 : memref<12288xf32, #tpu.memory_space<hbm>>)
      tpu.yield
    }) : () -> ()
    "tpu.region"() ({
      %run_scoped3A_41 = tpu.sem_alloc : memref<!tpu.dma_semaphore, #tpu.memory_space<semaphore_mem>>
      %dma_start3A = arith.constant 0 : i32
      %dma_start3A_42 = tpu.memref_slice %arg8[%add3A, %dma_start3A] : memref<16x12288xf32, #tpu.memory_space<hbm>> -> memref<1x12288xf32, #tpu.memory_space<hbm>>
      %dma_start3A_43 = tpu.memref_squeeze %dma_start3A_42 : memref<1x12288xf32, #tpu.memory_space<hbm>> -> memref<12288xf32, #tpu.memory_space<hbm>>
      %dma_start3A_44 = arith.constant 0 : i32
      %dma_start3A_45 = tpu.memref_slice %arg8[%add3A, %dma_start3A_44] : memref<16x12288xf32, #tpu.memory_space<hbm>> -> memref<1x12288xf32, #tpu.memory_space<hbm>>
      %dma_start3A_46 = tpu.memref_squeeze %dma_start3A_45 : memref<1x12288xf32, #tpu.memory_space<hbm>> -> memref<12288xf32, #tpu.memory_space<hbm>>
      tpu.enqueue_dma source(%arg21 : memref<12288xf32, #tpu.memory_space<vmem>>) target(%dma_start3A_46 : memref<12288xf32, #tpu.memory_space<hbm>>) target_semaphore(%run_scoped3A_41 : memref<!tpu.dma_semaphore, #tpu.memory_space<semaphore_mem>>)
      %dma_wait3A = arith.constant 0 : i32
      %dma_wait3A_47 = tpu.memref_slice %arg8[%add3A, %dma_wait3A] : memref<16x12288xf32, #tpu.memory_space<hbm>> -> memref<1x12288xf32, #tpu.memory_space<hbm>>
      %dma_wait3A_48 = tpu.memref_squeeze %dma_wait3A_47 : memref<1x12288xf32, #tpu.memory_space<hbm>> -> memref<12288xf32, #tpu.memory_space<hbm>>
      %dma_wait3A_49 = arith.constant 0 : i32
      %dma_wait3A_50 = tpu.memref_slice %arg8[%add3A, %dma_wait3A_49] : memref<16x12288xf32, #tpu.memory_space<hbm>> -> memref<1x12288xf32, #tpu.memory_space<hbm>>
      %dma_wait3A_51 = tpu.memref_squeeze %dma_wait3A_50 : memref<1x12288xf32, #tpu.memory_space<hbm>> -> memref<12288xf32, #tpu.memory_space<hbm>>
      tpu.wait_dma2 semaphore(%run_scoped3A_41 : memref<!tpu.dma_semaphore, #tpu.memory_space<semaphore_mem>>) src(%arg21 : memref<12288xf32, #tpu.memory_space<vmem>>) dst(%dma_wait3A_51 : memref<12288xf32, #tpu.memory_space<hbm>>)
      tpu.yield
    }) : () -> ()
    %mul3A_12 = arith.constant 16 : i32
    %mul3A_13 = arith.muli %add3A, %mul3A_12 : i32
    "tpu.region"() ({
      %run_scoped3A_41 = tpu.sem_alloc : memref<!tpu.dma_semaphore, #tpu.memory_space<semaphore_mem>>
      %dma_start3A = tpu.memref_slice %arg9[%mul3A_13] : memref<256xi32, #tpu.memory_space<hbm>> -> memref<16xi32, #tpu.memory_space<hbm>>
      %dma_start3A_42 = tpu.memref_slice %arg9[%mul3A_13] : memref<256xi32, #tpu.memory_space<hbm>> -> memref<16xi32, #tpu.memory_space<hbm>>
      tpu.enqueue_dma source(%arg22 : memref<16xi32, #tpu.memory_space<vmem>>) target(%dma_start3A_42 : memref<16xi32, #tpu.memory_space<hbm>>) target_semaphore(%run_scoped3A_41 : memref<!tpu.dma_semaphore, #tpu.memory_space<semaphore_mem>>)
      %dma_wait3A = tpu.memref_slice %arg9[%mul3A_13] : memref<256xi32, #tpu.memory_space<hbm>> -> memref<16xi32, #tpu.memory_space<hbm>>
      %dma_wait3A_43 = tpu.memref_slice %arg9[%mul3A_13] : memref<256xi32, #tpu.memory_space<hbm>> -> memref<16xi32, #tpu.memory_space<hbm>>
      tpu.wait_dma2 semaphore(%run_scoped3A_41 : memref<!tpu.dma_semaphore, #tpu.memory_space<semaphore_mem>>) src(%arg22 : memref<16xi32, #tpu.memory_space<vmem>>) dst(%dma_wait3A_43 : memref<16xi32, #tpu.memory_space<hbm>>)
      tpu.yield
    }) : () -> ()
    %barrier3A = arith.constant 0 : index
    tpu.barrier barrier_id(%barrier3A)
    "tpu.region"() ({
      %run_scoped3A_41 = tpu.sem_alloc : memref<!tpu.dma_semaphore, #tpu.memory_space<semaphore_mem>>
      %dma_start3A = arith.constant 0 : i32
      %dma_start3A_42 = tpu.memref_slice %arg26[%dma_start3A] : memref<272xi32, #tpu.memory_space<vmem>> -> memref<256xi32, #tpu.memory_space<vmem>>
      %dma_start3A_43 = arith.constant 0 : i32
      %dma_start3A_44 = tpu.memref_slice %arg26[%dma_start3A_43] : memref<272xi32, #tpu.memory_space<vmem>> -> memref<256xi32, #tpu.memory_space<vmem>>
      tpu.enqueue_dma source(%arg9 : memref<256xi32, #tpu.memory_space<hbm>>) target(%dma_start3A_44 : memref<256xi32, #tpu.memory_space<vmem>>) target_semaphore(%run_scoped3A_41 : memref<!tpu.dma_semaphore, #tpu.memory_space<semaphore_mem>>)
      %dma_wait3A = arith.constant 0 : i32
      %dma_wait3A_45 = tpu.memref_slice %arg26[%dma_wait3A] : memref<272xi32, #tpu.memory_space<vmem>> -> memref<256xi32, #tpu.memory_space<vmem>>
      %dma_wait3A_46 = arith.constant 0 : i32
      %dma_wait3A_47 = tpu.memref_slice %arg26[%dma_wait3A_46] : memref<272xi32, #tpu.memory_space<vmem>> -> memref<256xi32, #tpu.memory_space<vmem>>
      tpu.wait_dma2 semaphore(%run_scoped3A_41 : memref<!tpu.dma_semaphore, #tpu.memory_space<semaphore_mem>>) src(%arg9 : memref<256xi32, #tpu.memory_space<hbm>>) dst(%dma_wait3A_47 : memref<256xi32, #tpu.memory_space<vmem>>)
      tpu.yield
    }) : () -> ()
    %broadcast_in_dim3A_14 = arith.constant 0 : i32
    %broadcast_in_dim3A_15 = vector.broadcast %broadcast_in_dim3A_14 : i32 to vector<16xi32>
    %swap3A_16 = arith.constant 0 : index
    %swap3A_17 = tpu.vector_load %arg30[%swap3A_16] {strides = array<i32>} : memref<80xi32, #tpu.memory_space<vmem>>, vector<16xi32>,
    tpu.vector_store %arg30[%swap3A_16], %broadcast_in_dim3A_15 {strides = array<i32>} : memref<80xi32, #tpu.memory_space<vmem>>, vector<16xi32>,
    %broadcast_in_dim3A_18 = arith.constant 0 : i32
    %broadcast_in_dim3A_19 = vector.broadcast %broadcast_in_dim3A_18 : i32 to vector<16xi32>
    %swap3A_20 = arith.constant 16 : index
    %swap3A_21 = tpu.vector_load %arg30[%swap3A_20] {strides = array<i32>} : memref<80xi32, #tpu.memory_space<vmem>>, vector<16xi32>,
    tpu.vector_store %arg30[%swap3A_20], %broadcast_in_dim3A_19 {strides = array<i32>} : memref<80xi32, #tpu.memory_space<vmem>>, vector<16xi32>,
    %broadcast_in_dim3A_22 = arith.constant 0 : i32
    %broadcast_in_dim3A_23 = vector.broadcast %broadcast_in_dim3A_22 : i32 to vector<16xi32>
    %swap3A_24 = arith.constant 32 : index
    %swap3A_25 = tpu.vector_load %arg30[%swap3A_24] {strides = array<i32>} : memref<80xi32, #tpu.memory_space<vmem>>, vector<16xi32>,
    tpu.vector_store %arg30[%swap3A_24], %broadcast_in_dim3A_23 {strides = array<i32>} : memref<80xi32, #tpu.memory_space<vmem>>, vector<16xi32>,
    %broadcast_in_dim3A_26 = arith.constant 0 : i32
    %broadcast_in_dim3A_27 = vector.broadcast %broadcast_in_dim3A_26 : i32 to vector<16xi32>
    %swap3A_28 = arith.constant 48 : index
    %swap3A_29 = tpu.vector_load %arg30[%swap3A_28] {strides = array<i32>} : memref<80xi32, #tpu.memory_space<vmem>>, vector<16xi32>,
    tpu.vector_store %arg30[%swap3A_28], %broadcast_in_dim3A_27 {strides = array<i32>} : memref<80xi32, #tpu.memory_space<vmem>>, vector<16xi32>,
    %broadcast_in_dim3A_30 = arith.constant 0 : i32
    %broadcast_in_dim3A_31 = vector.broadcast %broadcast_in_dim3A_30 : i32 to vector<16xi32>
    %swap3A_32 = arith.constant 64 : index
    %swap3A_33 = tpu.vector_load %arg30[%swap3A_32] {strides = array<i32>} : memref<80xi32, #tpu.memory_space<vmem>>, vector<16xi32>,
    tpu.vector_store %arg30[%swap3A_32], %broadcast_in_dim3A_31 {strides = array<i32>} : memref<80xi32, #tpu.memory_space<vmem>>, vector<16xi32>,
    %scan3A_34 = arith.constant 0 : i32
    %scan3A_35 = arith.constant 0 : i32
    %scan3A_36 = arith.constant 16 : i32
    %scan3A_37 = arith.addi %scan3A_35, %scan3A_36 : i32
    %scan3A_38 = arith.constant 1 : i32
    %scan3A_39 = scf.for %scan3A_41 = %scan3A_35 to %scan3A_37 step %scan3A_38 iter_args(%scan3A_42 = %scan3A_34) -> (i32)  : i32 {
      %mul3A_43 = arith.constant 768 : i32
      %mul3A_44 = arith.muli %add3A, %mul3A_43 : i32
      "tpu.region"() ({
        %run_scoped3A_61 = tpu.sem_alloc : memref<!tpu.dma_semaphore, #tpu.memory_space<semaphore_mem>>
        %dma_start3A = tpu.memref_slice %arg6[%scan3A_41, %mul3A_44] : memref<16x12288xi32, #tpu.memory_space<hbm>> -> memref<1x768xi32, #tpu.memory_space<hbm>>
        %dma_start3A_62 = tpu.memref_squeeze %dma_start3A : memref<1x768xi32, #tpu.memory_space<hbm>> -> memref<768xi32, #tpu.memory_space<hbm>>
        %dma_start3A_63 = tpu.memref_slice %arg6[%scan3A_41, %mul3A_44] : memref<16x12288xi32, #tpu.memory_space<hbm>> -> memref<1x768xi32, #tpu.memory_space<hbm>>
        %dma_start3A_64 = tpu.memref_squeeze %dma_start3A_63 : memref<1x768xi32, #tpu.memory_space<hbm>> -> memref<768xi32, #tpu.memory_space<hbm>>
        tpu.enqueue_dma source(%dma_start3A_64 : memref<768xi32, #tpu.memory_space<hbm>>) target(%arg23 : memref<768xi32, #tpu.memory_space<vmem>>) target_semaphore(%run_scoped3A_61 : memref<!tpu.dma_semaphore, #tpu.memory_space<semaphore_mem>>)
        %dma_wait3A = tpu.memref_slice %arg6[%scan3A_41, %mul3A_44] : memref<16x12288xi32, #tpu.memory_space<hbm>> -> memref<1x768xi32, #tpu.memory_space<hbm>>
        %dma_wait3A_65 = tpu.memref_squeeze %dma_wait3A : memref<1x768xi32, #tpu.memory_space<hbm>> -> memref<768xi32, #tpu.memory_space<hbm>>
        %dma_wait3A_66 = tpu.memref_slice %arg6[%scan3A_41, %mul3A_44] : memref<16x12288xi32, #tpu.memory_space<hbm>> -> memref<1x768xi32, #tpu.memory_space<hbm>>
        %dma_wait3A_67 = tpu.memref_squeeze %dma_wait3A_66 : memref<1x768xi32, #tpu.memory_space<hbm>> -> memref<768xi32, #tpu.memory_space<hbm>>
        tpu.wait_dma2 semaphore(%run_scoped3A_61 : memref<!tpu.dma_semaphore, #tpu.memory_space<semaphore_mem>>) src(%dma_wait3A_67 : memref<768xi32, #tpu.memory_space<hbm>>) dst(%arg23 : memref<768xi32, #tpu.memory_space<vmem>>)
        tpu.yield
      }) : () -> ()
      %mul3A_45 = arith.constant 768 : i32
      %mul3A_46 = arith.muli %add3A, %mul3A_45 : i32
      "tpu.region"() ({
        %run_scoped3A_61 = tpu.sem_alloc : memref<!tpu.dma_semaphore, #tpu.memory_space<semaphore_mem>>
        %dma_start3A = tpu.memref_slice %arg7[%scan3A_41, %mul3A_46] : memref<16x12288xf32, #tpu.memory_space<hbm>> -> memref<1x768xf32, #tpu.memory_space<hbm>>
        %dma_start3A_62 = tpu.memref_squeeze %dma_start3A : memref<1x768xf32, #tpu.memory_space<hbm>> -> memref<768xf32, #tpu.memory_space<hbm>>
        %dma_start3A_63 = tpu.memref_slice %arg7[%scan3A_41, %mul3A_46] : memref<16x12288xf32, #tpu.memory_space<hbm>> -> memref<1x768xf32, #tpu.memory_space<hbm>>
        %dma_start3A_64 = tpu.memref_squeeze %dma_start3A_63 : memref<1x768xf32, #tpu.memory_space<hbm>> -> memref<768xf32, #tpu.memory_space<hbm>>
        tpu.enqueue_dma source(%dma_start3A_64 : memref<768xf32, #tpu.memory_space<hbm>>) target(%arg24 : memref<768xf32, #tpu.memory_space<vmem>>) target_semaphore(%run_scoped3A_61 : memref<!tpu.dma_semaphore, #tpu.memory_space<semaphore_mem>>)
        %dma_wait3A = tpu.memref_slice %arg7[%scan3A_41, %mul3A_46] : memref<16x12288xf32, #tpu.memory_space<hbm>> -> memref<1x768xf32, #tpu.memory_space<hbm>>
        %dma_wait3A_65 = tpu.memref_squeeze %dma_wait3A : memref<1x768xf32, #tpu.memory_space<hbm>> -> memref<768xf32, #tpu.memory_space<hbm>>
        %dma_wait3A_66 = tpu.memref_slice %arg7[%scan3A_41, %mul3A_46] : memref<16x12288xf32, #tpu.memory_space<hbm>> -> memref<1x768xf32, #tpu.memory_space<hbm>>
        %dma_wait3A_67 = tpu.memref_squeeze %dma_wait3A_66 : memref<1x768xf32, #tpu.memory_space<hbm>> -> memref<768xf32, #tpu.memory_space<hbm>>
        tpu.wait_dma2 semaphore(%run_scoped3A_61 : memref<!tpu.dma_semaphore, #tpu.memory_space<semaphore_mem>>) src(%dma_wait3A_67 : memref<768xf32, #tpu.memory_space<hbm>>) dst(%arg24 : memref<768xf32, #tpu.memory_space<vmem>>)
        tpu.yield
      }) : () -> ()
      %mul3A_47 = arith.constant 768 : i32
      %mul3A_48 = arith.muli %add3A, %mul3A_47 : i32
      "tpu.region"() ({
        %run_scoped3A_61 = tpu.sem_alloc : memref<!tpu.dma_semaphore, #tpu.memory_space<semaphore_mem>>
        %dma_start3A = tpu.memref_slice %arg8[%scan3A_41, %mul3A_48] : memref<16x12288xf32, #tpu.memory_space<hbm>> -> memref<1x768xf32, #tpu.memory_space<hbm>>
        %dma_start3A_62 = tpu.memref_squeeze %dma_start3A : memref<1x768xf32, #tpu.memory_space<hbm>> -> memref<768xf32, #tpu.memory_space<hbm>>
        %dma_start3A_63 = tpu.memref_slice %arg8[%scan3A_41, %mul3A_48] : memref<16x12288xf32, #tpu.memory_space<hbm>> -> memref<1x768xf32, #tpu.memory_space<hbm>>
        %dma_start3A_64 = tpu.memref_squeeze %dma_start3A_63 : memref<1x768xf32, #tpu.memory_space<hbm>> -> memref<768xf32, #tpu.memory_space<hbm>>
        tpu.enqueue_dma source(%dma_start3A_64 : memref<768xf32, #tpu.memory_space<hbm>>) target(%arg25 : memref<768xf32, #tpu.memory_space<vmem>>) target_semaphore(%run_scoped3A_61 : memref<!tpu.dma_semaphore, #tpu.memory_space<semaphore_mem>>)
        %dma_wait3A = tpu.memref_slice %arg8[%scan3A_41, %mul3A_48] : memref<16x12288xf32, #tpu.memory_space<hbm>> -> memref<1x768xf32, #tpu.memory_space<hbm>>
        %dma_wait3A_65 = tpu.memref_squeeze %dma_wait3A : memref<1x768xf32, #tpu.memory_space<hbm>> -> memref<768xf32, #tpu.memory_space<hbm>>
        %dma_wait3A_66 = tpu.memref_slice %arg8[%scan3A_41, %mul3A_48] : memref<16x12288xf32, #tpu.memory_space<hbm>> -> memref<1x768xf32, #tpu.memory_space<hbm>>
        %dma_wait3A_67 = tpu.memref_squeeze %dma_wait3A_66 : memref<1x768xf32, #tpu.memory_space<hbm>> -> memref<768xf32, #tpu.memory_space<hbm>>
        tpu.wait_dma2 semaphore(%run_scoped3A_61 : memref<!tpu.dma_semaphore, #tpu.memory_space<semaphore_mem>>) src(%dma_wait3A_67 : memref<768xf32, #tpu.memory_space<hbm>>) dst(%arg25 : memref<768xf32, #tpu.memory_space<vmem>>)
        tpu.yield
      }) : () -> ()
      %mul3A_49 = arith.constant 16 : i32
      %mul3A_50 = arith.muli %scan3A_41, %mul3A_49 : i32
      %add3A_51 = arith.addi %mul3A_50, %add3A : i32
      %broadcast_in_dim3A_52 = vector.broadcast %add3A_51 : i32 to vector<16xi32>
      %gather3A = tpu.vector_load_idx %arg26[%broadcast_in_dim3A_52] : memref<272xi32, #tpu.memory_space<vmem>>[vector<16xi32>], vector<16xi32>,
      %scan3A_53 = arith.constant 0 : i32
      %scan3A_54 = arith.constant 0 : i32
      %scan3A_55 = arith.constant 48 : i32
      %scan3A_56 = arith.addi %scan3A_54, %scan3A_55 : i32
      %scan3A_57 = arith.constant 1 : i32
      %scan3A_58 = scf.for %scan3A_61 = %scan3A_54 to %scan3A_56 step %scan3A_57 iter_args(%scan3A_62 = %scan3A_53) -> (i32)  : i32 {
        %mul3A_63 = arith.constant 16 : i32
        %mul3A_64 = arith.muli %scan3A_61, %mul3A_63 : i32
        %mul3A_65 = arith.constant 16 : i32
        %mul3A_66 = arith.muli %scan3A_61, %mul3A_65 : i32
        %add3A_67 = vector.broadcast %mul3A_66 : i32 to vector<16xi32>
        %add3A_68 = arith.addi %add3A_67, %iota3A : vector<16xi32>
        %lt3A = arith.cmpi slt, %add3A_68, %gather3A : vector<16xi32>
        %get3A = arith.index_cast %mul3A_64 : i32 to index
        %get3A_69 = tpu.vector_load %arg23[%get3A] {strides = array<i32>} : memref<768xi32, #tpu.memory_space<vmem>>, vector<16xi32>,
        %shift_right_arithmetic3A = arith.constant 14 : i32
        %shift_right_arithmetic3A_70 = vector.broadcast %shift_right_arithmetic3A : i32 to vector<16xi32>
        %shift_right_arithmetic3A_71 = arith.shrsi %get3A_69, %shift_right_arithmetic3A_70 : vector<16xi32>
        %and3A = arith.constant 16383 : i32
        %and3A_72 = vector.broadcast %and3A : i32 to vector<16xi32>
        %and3A_73 = arith.andi %get3A_69, %and3A_72 : vector<16xi32>
        %sub3A = vector.broadcast %mul3A_2 : i32 to vector<16xi32>
        %sub3A_74 = arith.subi %shift_right_arithmetic3A_71, %sub3A : vector<16xi32>
        %jit3A = arith.constant 64 : i32
        %broadcast_in_dim3A_75 = vector.broadcast %jit3A : i32 to vector<16xi32>
        %select_n3A = arith.select %lt3A, %sub3A_74, %broadcast_in_dim3A_75 : vector<16xi1>, vector<16xi32>
        %broadcast_in_dim3A_76 = arith.constant true
        %broadcast_in_dim3A_77 = vector.broadcast %broadcast_in_dim3A_76 : i1 to vector<16xi1>
        %unique3A, %unique3A_78 = tpu.scan_count mask(%broadcast_in_dim3A_77 : vector<16xi1>) value(%select_n3A : vector<16xi32>) : vector<16xi1>, vector<16xi32>
        %gather3A_79 = tpu.vector_load_idx %arg30[%select_n3A] : memref<80xi32, #tpu.memory_space<vmem>>[vector<16xi32>], vector<16xi32>,
        %add3A_80 = arith.addi %gather3A_79, %unique3A_78 : vector<16xi32>
        %sub3A_81 = arith.constant 1 : i32
        %sub3A_82 = vector.broadcast %sub3A_81 : i32 to vector<16xi32>
        %sub3A_83 = arith.subi %add3A_80, %sub3A_82 : vector<16xi32>
        %mul3A_84 = arith.constant 256 : i32
        %mul3A_85 = vector.broadcast %mul3A_84 : i32 to vector<16xi32>
        %mul3A_86 = arith.muli %select_n3A, %mul3A_85 : vector<16xi32>
        %add3A_87 = arith.addi %mul3A_86, %sub3A_83 : vector<16xi32>
        tpu.vector_store_idx %arg27[%add3A_87], %and3A_73 : memref<16640xi32, #tpu.memory_space<vmem>>[vector<16xi32>], vector<16xi32>,
        %get3A_88 = arith.index_cast %mul3A_64 : i32 to index
        %get3A_89 = tpu.vector_load %arg24[%get3A_88] {strides = array<i32>} : memref<768xf32, #tpu.memory_space<vmem>>, vector<16xf32>,
        tpu.vector_store_idx %arg28[%add3A_87], %get3A_89 : memref<16640xf32, #tpu.memory_space<vmem>>[vector<16xi32>], vector<16xf32>,
        %get3A_90 = arith.index_cast %mul3A_64 : i32 to index
        %get3A_91 = tpu.vector_load %arg25[%get3A_90] {strides = array<i32>} : memref<768xf32, #tpu.memory_space<vmem>>, vector<16xf32>,
        tpu.vector_store_idx %arg29[%add3A_87], %get3A_91 : memref<16640xf32, #tpu.memory_space<vmem>>[vector<16xi32>], vector<16xf32>,
        %add3A_92 = arith.constant 1 : i32
        %add3A_93 = vector.broadcast %add3A_92 : i32 to vector<16xi32>
        %add3A_94 = arith.addi %sub3A_83, %add3A_93 : vector<16xi32>
        %and3A_95 = arith.andi %unique3A, %lt3A : vector<16xi1>
        tpu.vector_store_idx %arg30[%select_n3A], %add3A_94 masked %and3A_95 : memref<80xi32, #tpu.memory_space<vmem>>[vector<16xi32>], vector<16xi32>, vector<16xi1>
        %scan3A_96 = arith.constant 0 : i32
        scf.yield %scan3A_96 : i32
      }
      %scan3A_59 = arith.constant 48 : i32
      %scan3A_60 = arith.constant 0 : i32
      scf.yield %scan3A_60 : i32
    }
    %scan3A_40 = arith.constant 16 : i32
    "tpu.region"() ({
      %run_scoped3A_41 = tpu.sem_alloc : memref<!tpu.dma_semaphore, #tpu.memory_space<semaphore_mem>>
      %dma_start3A = arith.constant 0 : i32
      %dma_start3A_42 = tpu.memref_slice %arg10[%add3A, %dma_start3A] : memref<16x16640xi32, #tpu.memory_space<hbm>> -> memref<1x16640xi32, #tpu.memory_space<hbm>>
      %dma_start3A_43 = tpu.memref_squeeze %dma_start3A_42 : memref<1x16640xi32, #tpu.memory_space<hbm>> -> memref<16640xi32, #tpu.memory_space<hbm>>
      %dma_start3A_44 = arith.constant 0 : i32
      %dma_start3A_45 = tpu.memref_slice %arg10[%add3A, %dma_start3A_44] : memref<16x16640xi32, #tpu.memory_space<hbm>> -> memref<1x16640xi32, #tpu.memory_space<hbm>>
      %dma_start3A_46 = tpu.memref_squeeze %dma_start3A_45 : memref<1x16640xi32, #tpu.memory_space<hbm>> -> memref<16640xi32, #tpu.memory_space<hbm>>
      tpu.enqueue_dma source(%arg27 : memref<16640xi32, #tpu.memory_space<vmem>>) target(%dma_start3A_46 : memref<16640xi32, #tpu.memory_space<hbm>>) target_semaphore(%run_scoped3A_41 : memref<!tpu.dma_semaphore, #tpu.memory_space<semaphore_mem>>)
      %dma_wait3A = arith.constant 0 : i32
      %dma_wait3A_47 = tpu.memref_slice %arg10[%add3A, %dma_wait3A] : memref<16x16640xi32, #tpu.memory_space<hbm>> -> memref<1x16640xi32, #tpu.memory_space<hbm>>
      %dma_wait3A_48 = tpu.memref_squeeze %dma_wait3A_47 : memref<1x16640xi32, #tpu.memory_space<hbm>> -> memref<16640xi32, #tpu.memory_space<hbm>>
      %dma_wait3A_49 = arith.constant 0 : i32
      %dma_wait3A_50 = tpu.memref_slice %arg10[%add3A, %dma_wait3A_49] : memref<16x16640xi32, #tpu.memory_space<hbm>> -> memref<1x16640xi32, #tpu.memory_space<hbm>>
      %dma_wait3A_51 = tpu.memref_squeeze %dma_wait3A_50 : memref<1x16640xi32, #tpu.memory_space<hbm>> -> memref<16640xi32, #tpu.memory_space<hbm>>
      tpu.wait_dma2 semaphore(%run_scoped3A_41 : memref<!tpu.dma_semaphore, #tpu.memory_space<semaphore_mem>>) src(%arg27 : memref<16640xi32, #tpu.memory_space<vmem>>) dst(%dma_wait3A_51 : memref<16640xi32, #tpu.memory_space<hbm>>)
      tpu.yield
    }) : () -> ()
    "tpu.region"() ({
      %run_scoped3A_41 = tpu.sem_alloc : memref<!tpu.dma_semaphore, #tpu.memory_space<semaphore_mem>>
      %dma_start3A = arith.constant 0 : i32
      %dma_start3A_42 = tpu.memref_slice %arg11[%add3A, %dma_start3A] : memref<16x16640xf32, #tpu.memory_space<hbm>> -> memref<1x16640xf32, #tpu.memory_space<hbm>>
      %dma_start3A_43 = tpu.memref_squeeze %dma_start3A_42 : memref<1x16640xf32, #tpu.memory_space<hbm>> -> memref<16640xf32, #tpu.memory_space<hbm>>
      %dma_start3A_44 = arith.constant 0 : i32
      %dma_start3A_45 = tpu.memref_slice %arg11[%add3A, %dma_start3A_44] : memref<16x16640xf32, #tpu.memory_space<hbm>> -> memref<1x16640xf32, #tpu.memory_space<hbm>>
      %dma_start3A_46 = tpu.memref_squeeze %dma_start3A_45 : memref<1x16640xf32, #tpu.memory_space<hbm>> -> memref<16640xf32, #tpu.memory_space<hbm>>
      tpu.enqueue_dma source(%arg28 : memref<16640xf32, #tpu.memory_space<vmem>>) target(%dma_start3A_46 : memref<16640xf32, #tpu.memory_space<hbm>>) target_semaphore(%run_scoped3A_41 : memref<!tpu.dma_semaphore, #tpu.memory_space<semaphore_mem>>)
      %dma_wait3A = arith.constant 0 : i32
      %dma_wait3A_47 = tpu.memref_slice %arg11[%add3A, %dma_wait3A] : memref<16x16640xf32, #tpu.memory_space<hbm>> -> memref<1x16640xf32, #tpu.memory_space<hbm>>
      %dma_wait3A_48 = tpu.memref_squeeze %dma_wait3A_47 : memref<1x16640xf32, #tpu.memory_space<hbm>> -> memref<16640xf32, #tpu.memory_space<hbm>>
      %dma_wait3A_49 = arith.constant 0 : i32
      %dma_wait3A_50 = tpu.memref_slice %arg11[%add3A, %dma_wait3A_49] : memref<16x16640xf32, #tpu.memory_space<hbm>> -> memref<1x16640xf32, #tpu.memory_space<hbm>>
      %dma_wait3A_51 = tpu.memref_squeeze %dma_wait3A_50 : memref<1x16640xf32, #tpu.memory_space<hbm>> -> memref<16640xf32, #tpu.memory_space<hbm>>
      tpu.wait_dma2 semaphore(%run_scoped3A_41 : memref<!tpu.dma_semaphore, #tpu.memory_space<semaphore_mem>>) src(%arg28 : memref<16640xf32, #tpu.memory_space<vmem>>) dst(%dma_wait3A_51 : memref<16640xf32, #tpu.memory_space<hbm>>)
      tpu.yield
    }) : () -> ()
    "tpu.region"() ({
      %run_scoped3A_41 = tpu.sem_alloc : memref<!tpu.dma_semaphore, #tpu.memory_space<semaphore_mem>>
      %dma_start3A = arith.constant 0 : i32
      %dma_start3A_42 = tpu.memref_slice %arg12[%add3A, %dma_start3A] : memref<16x16640xf32, #tpu.memory_space<hbm>> -> memref<1x16640xf32, #tpu.memory_space<hbm>>
      %dma_start3A_43 = tpu.memref_squeeze %dma_start3A_42 : memref<1x16640xf32, #tpu.memory_space<hbm>> -> memref<16640xf32, #tpu.memory_space<hbm>>
      %dma_start3A_44 = arith.constant 0 : i32
      %dma_start3A_45 = tpu.memref_slice %arg12[%add3A, %dma_start3A_44] : memref<16x16640xf32, #tpu.memory_space<hbm>> -> memref<1x16640xf32, #tpu.memory_space<hbm>>
      %dma_start3A_46 = tpu.memref_squeeze %dma_start3A_45 : memref<1x16640xf32, #tpu.memory_space<hbm>> -> memref<16640xf32, #tpu.memory_space<hbm>>
      tpu.enqueue_dma source(%arg29 : memref<16640xf32, #tpu.memory_space<vmem>>) target(%dma_start3A_46 : memref<16640xf32, #tpu.memory_space<hbm>>) target_semaphore(%run_scoped3A_41 : memref<!tpu.dma_semaphore, #tpu.memory_space<semaphore_mem>>)
      %dma_wait3A = arith.constant 0 : i32
      %dma_wait3A_47 = tpu.memref_slice %arg12[%add3A, %dma_wait3A] : memref<16x16640xf32, #tpu.memory_space<hbm>> -> memref<1x16640xf32, #tpu.memory_space<hbm>>
      %dma_wait3A_48 = tpu.memref_squeeze %dma_wait3A_47 : memref<1x16640xf32, #tpu.memory_space<hbm>> -> memref<16640xf32, #tpu.memory_space<hbm>>
      %dma_wait3A_49 = arith.constant 0 : i32
      %dma_wait3A_50 = tpu.memref_slice %arg12[%add3A, %dma_wait3A_49] : memref<16x16640xf32, #tpu.memory_space<hbm>> -> memref<1x16640xf32, #tpu.memory_space<hbm>>
      %dma_wait3A_51 = tpu.memref_squeeze %dma_wait3A_50 : memref<1x16640xf32, #tpu.memory_space<hbm>> -> memref<16640xf32, #tpu.memory_space<hbm>>
      tpu.wait_dma2 semaphore(%run_scoped3A_41 : memref<!tpu.dma_semaphore, #tpu.memory_space<semaphore_mem>>) src(%arg29 : memref<16640xf32, #tpu.memory_space<vmem>>) dst(%dma_wait3A_51 : memref<16640xf32, #tpu.memory_space<hbm>>)
      tpu.yield
    }) : () -> ()
    "tpu.region"() ({
      %run_scoped3A_41 = tpu.sem_alloc : memref<!tpu.dma_semaphore, #tpu.memory_space<semaphore_mem>>
      %dma_start3A = arith.constant 0 : i32
      %dma_start3A_42 = tpu.memref_slice %arg13[%add3A, %dma_start3A] : memref<16x80xi32, #tpu.memory_space<hbm>> -> memref<1x80xi32, #tpu.memory_space<hbm>>
      %dma_start3A_43 = tpu.memref_squeeze %dma_start3A_42 : memref<1x80xi32, #tpu.memory_space<hbm>> -> memref<80xi32, #tpu.memory_space<hbm>>
      %dma_start3A_44 = arith.constant 0 : i32
      %dma_start3A_45 = tpu.memref_slice %arg13[%add3A, %dma_start3A_44] : memref<16x80xi32, #tpu.memory_space<hbm>> -> memref<1x80xi32, #tpu.memory_space<hbm>>
      %dma_start3A_46 = tpu.memref_squeeze %dma_start3A_45 : memref<1x80xi32, #tpu.memory_space<hbm>> -> memref<80xi32, #tpu.memory_space<hbm>>
      tpu.enqueue_dma source(%arg30 : memref<80xi32, #tpu.memory_space<vmem>>) target(%dma_start3A_46 : memref<80xi32, #tpu.memory_space<hbm>>) target_semaphore(%run_scoped3A_41 : memref<!tpu.dma_semaphore, #tpu.memory_space<semaphore_mem>>)
      %dma_wait3A = arith.constant 0 : i32
      %dma_wait3A_47 = tpu.memref_slice %arg13[%add3A, %dma_wait3A] : memref<16x80xi32, #tpu.memory_space<hbm>> -> memref<1x80xi32, #tpu.memory_space<hbm>>
      %dma_wait3A_48 = tpu.memref_squeeze %dma_wait3A_47 : memref<1x80xi32, #tpu.memory_space<hbm>> -> memref<80xi32, #tpu.memory_space<hbm>>
      %dma_wait3A_49 = arith.constant 0 : i32
      %dma_wait3A_50 = tpu.memref_slice %arg13[%add3A, %dma_wait3A_49] : memref<16x80xi32, #tpu.memory_space<hbm>> -> memref<1x80xi32, #tpu.memory_space<hbm>>
      %dma_wait3A_51 = tpu.memref_squeeze %dma_wait3A_50 : memref<1x80xi32, #tpu.memory_space<hbm>> -> memref<80xi32, #tpu.memory_space<hbm>>
      tpu.wait_dma2 semaphore(%run_scoped3A_41 : memref<!tpu.dma_semaphore, #tpu.memory_space<semaphore_mem>>) src(%arg30 : memref<80xi32, #tpu.memory_space<vmem>>) dst(%dma_wait3A_51 : memref<80xi32, #tpu.memory_space<hbm>>)
      tpu.yield
    }) : () -> ()
    return
  }
}

module attributes {stable_mosaic.version = 14 : i64} {
  func.func @_hs_body(%arg0: i32, %arg1: memref<1000x128xf32, #tpu.memory_space<vmem>>, %arg2: memref<128x128xf32, #tpu.memory_space<vmem>>, %arg3: memref<1x128xf32, #tpu.memory_space<vmem>>, %arg4: memref<1x128xf32, #tpu.memory_space<vmem>>, %arg5: memref<1000x128xf32, #tpu.memory_space<vmem>>, %arg6: memref<1000x2xf32, #tpu.memory_space<vmem>>) attributes {dimension_semantics = [#tpu.dimension_semantics<arbitrary>], iteration_bounds = array<i64: 10>, scalar_prefetch = 0 : i64, scratch_operands = 0 : i64, tpu.core_type = #tpu.core_type<tc>, window_params = [{transform_indices = @transform_0, window_bounds = array<i64: 1000, 128>}, {pipeline_mode = #tpu.pipeline_mode<synchronous>, transform_indices = @transform_1, window_bounds = array<i64: 128, 128>}, {pipeline_mode = #tpu.pipeline_mode<synchronous>, transform_indices = @transform_2, window_bounds = array<i64: 1, 128>}, {pipeline_mode = #tpu.pipeline_mode<synchronous>, transform_indices = @transform_3, window_bounds = array<i64: 1, 128>}, {transform_indices = @transform_4, window_bounds = array<i64: 1000, 128>}, {transform_indices = @transform_5, window_bounds = array<i64: 1000, 2>}]} {
    %get3A = arith.constant 0 : index
    %get3A_0 = arith.constant 0 : index
    %get3A_1 = vector.load %arg1[%get3A, %get3A_0] : memref<1000x128xf32, #tpu.memory_space<vmem>>, vector<1000x128xf32>
    %get3A_2 = arith.constant 0 : index
    %get3A_3 = arith.constant 0 : index
    %get3A_4 = vector.load %arg2[%get3A_2, %get3A_3] : memref<128x128xf32, #tpu.memory_space<vmem>>, vector<128x128xf32>
    %dot_general3A = arith.constant dense<0.000000e+00> : vector<1000x128xf32>
    %dot_general3A_5 = tpu.matmul %get3A_1, %get3A_4, %dot_general3A {dimension_numbers = #tpu.dot_dimension_numbers<[1], [0], [0], [1], [0, 0, 1, 1], [], []>, transpose_lhs_hint = false} : vector<1000x128xf32>, vector<128x128xf32>, vector<1000x128xf32> -> vector<1000x128xf32>
    %swap3A = arith.constant 0 : index
    %swap3A_6 = arith.constant 0 : index
    %swap3A_7 = vector.load %arg5[%swap3A, %swap3A_6] : memref<1000x128xf32, #tpu.memory_space<vmem>>, vector<1000x128xf32>
    tpu.vector_store %arg5[%swap3A, %swap3A_6], %dot_general3A_5 {strides = array<i32>} : memref<1000x128xf32, #tpu.memory_space<vmem>>, vector<1000x128xf32>,
    %get3A_8 = arith.constant 0 : index
    %get3A_9 = arith.constant 0 : index
    %get3A_10 = vector.load %arg3[%get3A_8, %get3A_9] : memref<1x128xf32, #tpu.memory_space<vmem>>, vector<1x128xf32>
    %mul3A = vector.broadcast %get3A_10 : vector<1x128xf32> to vector<1000x128xf32>
    %mul3A_11 = arith.mulf %dot_general3A_5, %mul3A : vector<1000x128xf32>
    %reduce_sum3A = arith.constant dense<0.000000e+00> : vector<1000xf32>
    %reduce_sum3A_12 = vector.multi_reduction <add>, %mul3A_11, %reduce_sum3A [1] : vector<1000x128xf32> to vector<1000xf32>
    %broadcast_in_dim3A = vector.shape_cast %reduce_sum3A_12 : vector<1000xf32> to vector<1000x1xf32>
    %get3A_13 = arith.constant 0 : index
    %get3A_14 = arith.constant 0 : index
    %get3A_15 = vector.load %arg4[%get3A_13, %get3A_14] : memref<1x128xf32, #tpu.memory_space<vmem>>, vector<1x128xf32>
    %mul3A_16 = vector.broadcast %get3A_15 : vector<1x128xf32> to vector<1000x128xf32>
    %mul3A_17 = arith.mulf %dot_general3A_5, %mul3A_16 : vector<1000x128xf32>
    %reduce_sum3A_18 = arith.constant dense<0.000000e+00> : vector<1000xf32>
    %reduce_sum3A_19 = vector.multi_reduction <add>, %mul3A_17, %reduce_sum3A_18 [1] : vector<1000x128xf32> to vector<1000xf32>
    %broadcast_in_dim3A_20 = vector.shape_cast %reduce_sum3A_19 : vector<1000xf32> to vector<1000x1xf32>
    %concatenate3A = tpu.concatenate %broadcast_in_dim3A, %broadcast_in_dim3A_20 in 1 : vector<1000x1xf32>, vector<1000x1xf32> -> vector<1000x2xf32>
    %swap3A_21 = arith.constant 0 : index
    %swap3A_22 = arith.constant 0 : index
    %swap3A_23 = vector.load %arg6[%swap3A_21, %swap3A_22] : memref<1000x2xf32, #tpu.memory_space<vmem>>, vector<1000x2xf32>
    tpu.vector_store %arg6[%swap3A_21, %swap3A_22], %concatenate3A {strides = array<i32>} : memref<1000x2xf32, #tpu.memory_space<vmem>>, vector<1000x2xf32>,
    return
  }
  func.func @transform_0(%arg0: i32) -> (i32, i32) {
    %c0_i32 = arith.constant 0 : i32
    %c0_i32_0 = arith.constant 0 : i32
    return %arg0, %c0_i32 : i32, i32
  }
  func.func @transform_1(%arg0: i32) -> (i32, i32) {
    %c0_i32 = arith.constant 0 : i32
    %c0_i32_0 = arith.constant 0 : i32
    %c0_i32_1 = arith.constant 0 : i32
    return %c0_i32, %c0_i32_0 : i32, i32
  }
  func.func @transform_2(%arg0: i32) -> (i32, i32) {
    %c0_i32 = arith.constant 0 : i32
    %c0_i32_0 = arith.constant 0 : i32
    %c0_i32_1 = arith.constant 0 : i32
    return %c0_i32, %c0_i32_0 : i32, i32
  }
  func.func @transform_3(%arg0: i32) -> (i32, i32) {
    %c0_i32 = arith.constant 0 : i32
    %c0_i32_0 = arith.constant 0 : i32
    %c0_i32_1 = arith.constant 0 : i32
    return %c0_i32, %c0_i32_0 : i32, i32
  }
  func.func @transform_4(%arg0: i32) -> (i32, i32) {
    %c0_i32 = arith.constant 0 : i32
    %c0_i32_0 = arith.constant 0 : i32
    return %arg0, %c0_i32 : i32, i32
  }
  func.func @transform_5(%arg0: i32) -> (i32, i32) {
    %c0_i32 = arith.constant 0 : i32
    %c0_i32_0 = arith.constant 0 : i32
    return %arg0, %c0_i32 : i32, i32
  }
}

module attributes {stable_mosaic.version = 14 : i64} {
  func.func @_st_body(%arg0: memref<10000x2xf32, #tpu.memory_space<vmem>>, %arg1: memref<2x10000xf32, #tpu.memory_space<vmem>>) attributes {dimension_semantics = [], scalar_prefetch = 0 : i64, scratch_operands = 0 : i64, tpu.core_type = #tpu.core_type<tc>} {
    %get3A = arith.constant 0 : index
    %get3A_0 = arith.constant 0 : index
    %get3A_1 = vector.load %arg0[%get3A, %get3A_0] : memref<10000x2xf32, #tpu.memory_space<vmem>>, vector<10000x2xf32>
    %slice3A = vector.extract_strided_slice %get3A_1 {offsets = [0, 0], sizes = [10000, 1], strides = [1, 1]} : vector<10000x2xf32> to vector<10000x1xf32>
    %squeeze3A = vector.shape_cast %slice3A : vector<10000x1xf32> to vector<10000xf32>
    %broadcast_in_dim3A = vector.shape_cast %squeeze3A : vector<10000xf32> to vector<1x10000xf32>
    %slice3A_2 = vector.extract_strided_slice %get3A_1 {offsets = [0, 1], sizes = [10000, 1], strides = [1, 1]} : vector<10000x2xf32> to vector<10000x1xf32>
    %squeeze3A_3 = vector.shape_cast %slice3A_2 : vector<10000x1xf32> to vector<10000xf32>
    %broadcast_in_dim3A_4 = vector.shape_cast %squeeze3A_3 : vector<10000xf32> to vector<1x10000xf32>
    %concatenate3A = tpu.concatenate %broadcast_in_dim3A, %broadcast_in_dim3A_4 in 0 : vector<1x10000xf32>, vector<1x10000xf32> -> vector<2x10000xf32>
    %swap3A = arith.constant 0 : index
    %swap3A_5 = arith.constant 0 : index
    %swap3A_6 = vector.load %arg1[%swap3A, %swap3A_5] : memref<2x10000xf32, #tpu.memory_space<vmem>>, vector<2x10000xf32>
    tpu.vector_store %arg1[%swap3A, %swap3A_5], %concatenate3A {strides = array<i32>} : memref<2x10000xf32, #tpu.memory_space<vmem>>, vector<2x10000xf32>,
    return
  }
}

module attributes {stable_mosaic.version = 14 : i64} {
  func.func @_sm_body(%arg0: i32, %arg1: memref<64x10000xf32, #tpu.memory_space<vmem>>, %arg2: memref<10000x128xf32, #tpu.memory_space<vmem>>, %arg3: memref<64x128xf32, #tpu.memory_space<vmem>>) attributes {dimension_semantics = [#tpu.dimension_semantics<arbitrary>], iteration_bounds = array<i64: 16>, scalar_prefetch = 0 : i64, scratch_operands = 0 : i64, tpu.core_type = #tpu.core_type<tc>, window_params = [{transform_indices = @transform_0, window_bounds = array<i64: 64, 10000>}, {pipeline_mode = #tpu.pipeline_mode<synchronous>, transform_indices = @transform_1, window_bounds = array<i64: 10000, 128>}, {transform_indices = @transform_2, window_bounds = array<i64: 64, 128>}]} {
    %get3A = arith.constant 0 : index
    %get3A_0 = arith.constant 0 : index
    %get3A_1 = vector.load %arg1[%get3A, %get3A_0] : memref<64x10000xf32, #tpu.memory_space<vmem>>, vector<64x10000xf32>
    %reduce_max3A = arith.constant dense<0xFF800000> : vector<64xf32>
    %reduce_max3A_2 = vector.multi_reduction <maximumf>, %get3A_1, %reduce_max3A [1] : vector<64x10000xf32> to vector<64xf32>
    %broadcast_in_dim3A = vector.shape_cast %reduce_max3A_2 : vector<64xf32> to vector<64x1xf32>
    %sub3A = vector.broadcast %broadcast_in_dim3A : vector<64x1xf32> to vector<64x10000xf32>
    %sub3A_3 = arith.subf %get3A_1, %sub3A : vector<64x10000xf32>
    %exp3A = math.exp %sub3A_3 : vector<64x10000xf32>
    %reduce_sum3A = arith.constant dense<0.000000e+00> : vector<64xf32>
    %reduce_sum3A_4 = vector.multi_reduction <add>, %exp3A, %reduce_sum3A [1] : vector<64x10000xf32> to vector<64xf32>
    %broadcast_in_dim3A_5 = vector.shape_cast %reduce_sum3A_4 : vector<64xf32> to vector<64x1xf32>
    %div3A = vector.broadcast %broadcast_in_dim3A_5 : vector<64x1xf32> to vector<64x10000xf32>
    %div3A_6 = arith.divf %exp3A, %div3A : vector<64x10000xf32>
    %get3A_7 = arith.constant 0 : index
    %get3A_8 = arith.constant 0 : index
    %get3A_9 = vector.load %arg2[%get3A_7, %get3A_8] : memref<10000x128xf32, #tpu.memory_space<vmem>>, vector<10000x128xf32>
    %dot_general3A = arith.constant dense<0.000000e+00> : vector<64x128xf32>
    %dot_general3A_10 = tpu.matmul %div3A_6, %get3A_9, %dot_general3A {dimension_numbers = #tpu.dot_dimension_numbers<[1], [0], [0], [1], [0, 0, 1, 1], [], []>, transpose_lhs_hint = false} : vector<64x10000xf32>, vector<10000x128xf32>, vector<64x128xf32> -> vector<64x128xf32>
    %gt3A = arith.constant 0.000000e+00 : f32
    %gt3A_11 = vector.broadcast %gt3A : f32 to vector<64x128xf32>
    %gt3A_12 = arith.cmpf ogt, %dot_general3A_10, %gt3A_11 : vector<64x128xf32>
    %exp3A_13 = math.exp %dot_general3A_10 : vector<64x128xf32>
    %sub3A_14 = arith.constant 1.000000e+00 : f32
    %sub3A_15 = vector.broadcast %sub3A_14 : f32 to vector<64x128xf32>
    %sub3A_16 = arith.subf %exp3A_13, %sub3A_15 : vector<64x128xf32>
    %select_n3A = arith.select %gt3A_12, %dot_general3A_10, %sub3A_16 : vector<64x128xi1>, vector<64x128xf32>
    %swap3A = arith.constant 0 : index
    %swap3A_17 = arith.constant 0 : index
    %swap3A_18 = vector.load %arg3[%swap3A, %swap3A_17] : memref<64x128xf32, #tpu.memory_space<vmem>>, vector<64x128xf32>
    tpu.vector_store %arg3[%swap3A, %swap3A_17], %select_n3A {strides = array<i32>} : memref<64x128xf32, #tpu.memory_space<vmem>>, vector<64x128xf32>,
    return
  }
  func.func @transform_0(%arg0: i32) -> (i32, i32) {
    %c0_i32 = arith.constant 0 : i32
    %c0_i32_0 = arith.constant 0 : i32
    return %arg0, %c0_i32 : i32, i32
  }
  func.func @transform_1(%arg0: i32) -> (i32, i32) {
    %c0_i32 = arith.constant 0 : i32
    %c0_i32_0 = arith.constant 0 : i32
    %c0_i32_1 = arith.constant 0 : i32
    return %c0_i32, %c0_i32_0 : i32, i32
  }
  func.func @transform_2(%arg0: i32) -> (i32, i32) {
    %c0_i32 = arith.constant 0 : i32
    %c0_i32_0 = arith.constant 0 : i32
    return %arg0, %c0_i32 : i32, i32
  }
}

</mosaic_0001>

<sc_bundles>
// kernel: kernel.10.cloned.1.call-start
scs
__scs_entry_jumppad:
0x0: {  	(pc) =	sbr.rel $0x88, $3  }
0x1: {  	(tag) =	ssettag $0x0;
	lr =	simm.s32 $0x1  }
0x2: {  	[smem:$0x3F9C] =	sst lr;
	_ =	strace $0xD0000000  }
0x3: {  	_ = 	snop  }
0x4: {  	_ = 	snop  }
0x5: {  	_ = 	snop  }
0x6: {  	_ = 	snop  }
0x7: {  	_ = 	snop  }
__scs_overlays_trampoline_lowered:
0x8: {  	[smem:$0x3FAB] =	sst s0  }
0x9: {  	[smem:$0x3FAC] =	sst s1  }
0xa: {  	[smem:$0x3FAD] =	sst s2  }
0xb: {  	[smem:$0x3FAE] =	sst s3  }
0xc: {  	[smem:$0x3FAF] =	sst s4  }
0xd: {  	[smem:$0x3FB0] =	sst s5  }
0xe: {  	[smem:$0x3FB1] =	sst s6  }
0xf: {  	[smem:$0x3FB2] =	sst s7  }
0x10: {  	[smem:$0x3FB3] =	sst s8  }
0x11: {  	[smem:$0x3FB4] =	sst s9;
	s0 =	simm.s32 @!p0 $0x0  }
0x12: {  	s1 =	sld [smem:$0x3F9A];
	s0 =	simm.s32 @p0 $0x1  }
0x13: {  	[smem:$0x3FB5] =	sst s0;
	s0 =	simm.s32 @!p1 $0x0  }
0x14: {  	s2 =	sld [smem:$0x3F99];
	s0 =	simm.s32 @p1 $0x1  }
0x15: {  	[smem:$0x3FB6] =	sst s0;
	s0 =	simm.s32 @!p2 $0x0  }
0x16: {  	s3 =	sld [smem:$0x3FDB];
	s0 =	simm.s32 @p2 $0x1  }
0x17: {  	s4 =	simm.s32 $0x1BF5;
	[smem:$0x3FB8] =	sst s0  }
0x18: {  	s0 =	sld [smem:$0x3F9B];
	_ =	swait.ge [sflag:s4], $0x0  }
0x19: {  	s7 =	sld [smem:$0x3F9C]  }
0x1a: {  	s8 =	sadd.s32 $0xFFFFE003, lr  }
0x1b: {  	s9 =	sadd.s32 $0xFFFFFEF7, lr;
	s5 =	simm.s32 $0xFFFFFFFF;
	p2 =	slt.u32 s8, $0xFFFFF086  }
0x1c: {  	p1 =	slt.u32 s9, $0xF7A;
	s5 =	simm.s32 @!p2 $0x0  }
0x1d: {  	s5 =	simm.s32 @p1 $0x1;
	p0 =	seq.s32 s7, s2  }
0x1e: {  	s7 =	smul.u32 @!p0 $0xF7A, s2;
	p2 =	seq.s32 @!p0 s5, $0x0  }
0x1f: {  	s9 =	smul.u32 $0xF7A, s1;
	s8 =	simm.s32 @!p0 $0x1BF5;
	p2 =	por !p2, p0  }
0x20: {  	[sflag:s8] =	ssyncset.s32 @!p0 $0xFFFFF086;
	s6 =	sadd.s32 @!p0 s3, s7;
	s7 =	simm.s32 @!p0 $0x108  }
0x21: {  	s3 =	sadd.s32 s3, s9;
	s6 =	sadd.s32 @!p0 $0x88, s6;
	s7 =	simm.s32 @p2 $0x1082  }
0x22: {  	[simem:s7], [sflag:s8] =	dma.local @!p0 [hbm:s6], $0xF7A  }
0x23: {  	s9 =	sor.u32 $0xD0000000, s2;
	s6 =	simm.s32 $0x108;
	_ =	swait.ge @!p0 [sflag:s8], $0x0  }
0x24: {  	s3 =	sadd.s32 $0x88, s3;
	s6 =	simm.s32 @!p1 $0x1082;
	[sflag:s4] =	ssyncset.s32 $0xFFFFF086  }
0x25: {  	[simem:s6], [sflag:s4] =	dma.local [hbm:s3], $0xF7A  }
0x26: {  	[smem:$0x3F9C] =	sst s1;
	(tag) =	ssettag s2;
	_ =	strace s9  }
0x27: {  	s1 =	sld [smem:$0x3FAC]  }
0x28: {  	s2 =	sld [smem:$0x3FAD]  }
0x29: {  	s4 =	sld [smem:$0x3FAF]  }
0x2a: {  	p0 =	seq.s32 s5, $0x0;
	s5 =	sld [smem:$0x3FB0]  }
0x2b: {  	s6 =	sld [smem:$0x3FB1]  }
0x2c: {  	s7 =	sld [smem:$0x3FB2]  }
0x2d: {  	s3 =	simm.s32 $0x108;
	s8 =	sld [smem:$0x3FB3]  }
0x2e: {  	s3 =	simm.s32 @!p0 $0x1082;
	s9 =	sld [smem:$0x3FB4]  }
0x2f: {  	lr =	sadd.s32 s0, s3;
	s0 =	sld [smem:$0x3FAB]  }
0x30: {  	s3 =	sld [smem:$0x3FAE]  }
0x31: {  	[smem:$0x3FB7] =	sst s10  }
0x32: {  	s10 =	sld [smem:$0x3FB5];
	_ =	sdelay $0x3  }
0x33: {  	p0 =	seq.s32 s10, $0x1;
	s10 =	sld [smem:$0x3FB7];
	_ =	sdelay $0x3  }
0x34: {  	[smem:$0x3FB7] =	sst s10  }
0x35: {  	s10 =	sld [smem:$0x3FB6];
	_ =	sdelay $0x3  }
0x36: {  	p1 =	seq.s32 s10, $0x1;
	s10 =	sld [smem:$0x3FB7];
	_ =	sdelay $0x3  }
0x37: {  	[smem:$0x3FB7] =	sst s10  }
0x38: {  	s10 =	sld [smem:$0x3FB8]  }
0x39: {  	_ = 	snop;
	(pc) =	sbr.ind lr, $3  }
0x3a: {  	_ = 	snop  }
0x3b: {  	_ = 	snop  }
0x3c: {  	p2 =	seq.s32 s10, $0x1;
	s10 =	sld [smem:$0x3FB7]  }
0x3d: {  	_ =	shalt  }
0x3e: {  	_ =	shalt  }
0x3f: {  	_ =	shalt  }
0x40: {  	_ =	shalt  }
0x41: {  	_ =	shalt  }
0x42: {  	_ =	shalt  }
0x43: {  	_ =	shalt  }
0x44: {  	_ =	shalt  }
0x45: {  	_ =	shalt  }
0x46: {  	_ =	shalt  }
0x47: {  	_ =	shalt  }
0x48: {  	_ =	shalt  }
0x49: {  	_ =	shalt  }
0x4a: {  	_ =	shalt  }
0x4b: {  	_ =	shalt  }
0x4c: {  	_ =	shalt  }
0x4d: {  	_ =	shalt  }
0x4e: {  	_ =	shalt  }
0x4f: {  	_ =	shalt  }
0x50: {  	_ =	shalt  }
0x51: {  	_ =	shalt  }
0x52: {  	_ =	shalt  }
0x53: {  	_ =	shalt  }
0x54: {  	_ =	shalt  }
0x55: {  	_ =	shalt  }
0x56: {  	_ =	shalt  }
0x57: {  	_ =	shalt  }
0x58: {  	_ =	shalt  }
0x59: {  	_ =	shalt  }
0x5a: {  	_ =	shalt  }
0x5b: {  	_ =	shalt  }
0x5c: {  	_ =	shalt  }
0x5d: {  	_ =	shalt  }
0x5e: {  	_ =	shalt  }
0x5f: {  	_ =	shalt  }
0x60: {  	_ =	shalt  }
0x61: {  	_ =	shalt  }
0x62: {  	_ =	shalt  }
0x63: {  	_ =	shalt  }
0x64: {  	_ =	shalt  }
0x65: {  	_ =	shalt  }
0x66: {  	_ =	shalt  }
0x67: {  	_ =	shalt  }
0x68: {  	_ =	shalt  }
0x69: {  	_ =	shalt  }
0x6a: {  	_ =	shalt  }
0x6b: {  	_ =	shalt  }
0x6c: {  	_ =	shalt  }
0x6d: {  	_ =	shalt  }
0x6e: {  	_ =	shalt  }
0x6f: {  	_ =	shalt  }
0x70: {  	_ =	shalt  }
0x71: {  	_ =	shalt  }
0x72: {  	_ =	shalt  }
0x73: {  	_ =	shalt  }
0x74: {  	_ =	shalt  }
0x75: {  	_ =	shalt  }
0x76: {  	_ =	shalt  }
0x77: {  	_ =	shalt  }
0x78: {  	_ =	shalt  }
0x79: {  	_ =	shalt  }
0x7a: {  	_ =	shalt  }
0x7b: {  	_ =	shalt  }
0x7c: {  	_ =	shalt  }
0x7d: {  	_ =	shalt  }
0x7e: {  	_ =	shalt  }
0x7f: {  	_ =	shalt  }
0x80: {  	_ =	shalt  }
0x81: {  	_ =	shalt  }
0x82: {  	_ =	shalt  }
0x83: {  	_ =	shalt  }
0x84: {  	_ =	shalt  }
0x85: {  	_ =	shalt  }
0x86: {  	_ =	shalt  }
0x87: {  	_ =	shalt  }
.Lfunc_end0:
.L_simem_size_0:
called_computation.2_lowered:
.L_overlay_start_0:
0x88: {  	s0 =	sld [smem:$0x3FD9]  }
0x89: {  	s1 =	sld [smem:$0x3FFE];
	_ =	sdelay $0x3  }
0x8a: {  	s0 =	sadd.s32 s1, s0  }
0x8b: {  	[smem:$0x3FC3] =	sst s0  }
0x8c: {  	_ = 	snop  }
0x8d: {  	(tm) =	ssettm $0x1  }
0x8e: {  	s15 =	sld [smem:$0x3FFB];
	_ =	sdelay $0x3  }
0x8f: {  	_ =	strace s15  }
0x90: {  	s0 =	sld [smem:$0x3FFC];
	_ =	sdelay $0x3  }
0x91: {  	_ =	strace s0  }
0x92: {  	s0 =	sld [smem:$0x3FFD];
	_ =	sdelay $0x3  }
0x93: {  	_ =	strace s0  }
0x94: {  	_ =	strace $0x8FFFFFFF  }
0x95: {  	s16 =	sld [smem:$0x3FDB];
	_ =	sdelay $0x1  }
0x96: {  	s17 =	simm.s32 $_scs_section_size  }
0x97: {  	s2 =	simm.s32 $_size__tile_overlayer_lowered;
	s3 =	simm.s32 $_tile_overlayer_lowered  }
0x98: {  	s20 =	simm.s32 $0x1BFF;
	s19 =	sshll.u32 s3, $0x1;
	s0 =	sadd.s32 s17, s16  }
0x99: {  	s4 =	simm.s32 $0x0;
	s18 =	sshll.u32 s2, $0x1;
	s2 =	sadd.s32 s19, s0  }
0x9a: {  	[timem:s4], [sflag:s20] =	dma.local [hbm:s2], s18  }
0x9b: {  	_ =	swait.ge [sflag:s20], s18  }
0x9c: {  	s1 =	ssub.s32 $0x0, s18;
	[sflag:s20] =	ssyncset.done $0x0  }
0x9d: {  	[sflag:s20] =	ssyncadd.s32 s1;
	_ =	sdelay $0x1  }
0x9e: {  	s21 =	simm.s32 $0x1B8B  }
0x9f: {  	_ =	swait.ge [sflag:s21], $0x1  }
0xa0: {  	[sflag:s21] =	ssyncset.done $0x0  }
0xa1: {  	s23 =	simm.s32 $0x1B8E;
	s22 =	sld [smem:$0x3FFE];
	[sflag:s21] =	ssyncadd.s32 $0xFFFFFFFF  }
0xa2: {  	s24 =	simm.s32 $execute0_lowered;
	[smem:$0x3FD2] =	sst s23  }
0xa3: {  	s2 =	sshll.u32 s24, $0x1;
	_ =	strace $0x8000004C;
	[dreg:$0x1] =	wrdreg $0xFFFFFFFF  }
0xa4: {  	s25 =	simm.s32 $_size_execute0_lowered;
	s0 =	sadd.s32 s0, s2;
	[dreg:$0x0] =	wrdreg $0x0  }
0xa5: {  	s2 =	sshll.u32 s25, $0x1;
	[dreg:$0x2] =	wrdreg s0  }
0xa6: {  	[dreg:$0x3] =	wrdreg s2  }
0xa7: {  	[dreg:$0x4] =	wrdreg $0xC0  }
0xa8: {  	_ =	task [dreg:s4], $0x5FFFF  }
0xa9: {  	[dreg:$0x1] =	wrdreg $0xFFFFFFFF  }
0xaa: {  	[dreg:$0x0] =	wrdreg $0x60  }
0xab: {  	[dreg:$0x2] =	wrdreg s22  }
0xac: {  	[dreg:$0x3] =	wrdreg $0x9  }
0xad: {  	_ =	task.clear_ibuf [dreg:s4], $0x4FFFF;
	_ =	strace $0x9000004C  }
0xae: {  	s26 =	simm.s32 $0x9;
	_ =	strace $0x8000004E  }
0xaf: {  	_ =	swait.ge [sflag:s26], $0x1  }
0xb0: {  	[sflag:s26] =	ssyncadd.s32 $0xFFFFFFFF  }
0xb1: {  	_ =	strace $0x9000004E  }
0xb2: {  	_ =	sfence  }
0xb3: {  	s28 =	sld [smem:$0x0];
	_ =	sdelay $0x1  }
0xb4: {  	s29 =	srdreg.scid  }
0xb5: {  	s30 =	sshll.u32 s29, $0xD;
	s31 =	sshrl.u32 s29, $0x2  }
0xb6: {  	s1 =	sand.u32 $0x1, s29;
	s2 =	sand.u32 $0x4000, s30;
	s0 =	sadd.s32 s31, s28  }
0xb7: {  	s1 =	sor.u32 s2, s1;
	s0 =	sshll.u32 s0, $0x11  }
0xb8: {  	s0 =	sor.u32 s0, s1  }
0xb9: {  	s0 =	sadd.s32 $0x8F2B, s0  }
0xba: {  	[sflag:s0] =	ssyncadd.remote.s32 $0x1  }
0xbb: {  	_ =	sfence.sel $0xFFFF  }
0xbc: {  	[dreg:$0x0] =	wrdreg $0xFFFFFFFF;
	(pc) =	sbr.abs _section_cstart, $3  }
0xbd: {  	[dreg:$0x1] =	wrdreg $0xFFFFFFFF  }
0xbe: {  	_ =	task.clear_ibuf [dreg:s4], $0x2FFFF;
	_ =	strace $0x9FFFFFFF  }
0xbf: {  	(tm) =	ssettm $0x7FFFFFFF  }
tec
execute0_lowered:
.L_overlay_start_1:
0x0: {  	(tag) =	ssettag $0x1  }
0x1: {  	s0 =	stileid.u32  }
0x2: {  	s7 =	sshrl.u32 s0, $0x3  }
0x3: {  	s1 =	sshll.u32 s0, $0x7;
	s3 =	smul.u32 $0x20800, s7  }
0x4: {  	s8 =	sand.u32 $0x380, s1  }
0x5: {  	s10 =	rddreg [dreg:$0x0];
	s2 =	simm.s32 $0x0;
	s3 =	sor.u32 s8, s3  }
0x6: {  	[smem:$0x7FF] =	sst s2;
	s3 =	sshrl.u32 s3, $0x3  }
0x7: {  	s4 =	simm.s32 $0x400;
	s1 =	rddreg [dreg:$0x1];
	s9 =	sadd.s32 s3, s10  }
0x8: {  	_ =	strace $0x8000004D;
	s3 =	simm.s32 $0x80;
	s5 =	sadd.s32 $0x1CC00, s9  }
0x9: {  	[tilespmem:s2], [sflag:$0x1] =	stream.strided.gather [hbm4b:s5+s3], $0x4100, s4, s3, $0x38;
	[tilespmem:$0xEB00] =	vst v63  }
0xa: {  	s5 =	simm.s32 $0x1  }
0xb: {  	_ =	swait.ge [sflag:s5], $0x4100  }
0xc: {  	[sflag:s5] =	ssyncset.done $0x0  }
0xd: {  	s6 =	simm.s32 $0x4100;
	s11 =	sadd.s32 $0x24E00, s9;
	[sflag:s5] =	ssyncadd.s32 $0xFFFFBF00  }
0xe: {  	[tilespmem:s6], [sflag:$0x1] =	stream.strided.gather [hbm4b:s11+s3], $0x4100, s4, s3, $0x38;
	[tilespmem:$0xEB00] =	vst v63  }
0xf: {  	s7 =	sshll.u32 s7, $0xA;
	_ =	swait.ge [sflag:s5], $0x4100  }
0x10: {  	s8 =	sor.u32 s8, s7;
	[sflag:s5] =	ssyncset.done $0x0  }
0x11: {  	s7 =	simm.s32 $0x8200;
	s9 =	sadd.s32 $0x2D000, s9;
	[sflag:s5] =	ssyncadd.s32 $0xFFFFBF00  }
0x12: {  	[tilespmem:s7], [sflag:$0x1] =	stream.strided.gather [hbm4b:s9+s3], $0x4100, s4, s3, $0x38;
	[tilespmem:$0xEB00] =	vst v63  }
0x13: {  	s8 =	sshrl.u32 s8, $0x3;
	_ =	swait.ge [sflag:s5], $0x4100  }
0x14: {  	s8 =	sadd.s32 s8, s10;
	[sflag:s5] =	ssyncset.done $0x0  }
0x15: {  	s31 =	sadd.s32 $0x35200, s8;
	s8 =	simm.s32 $0xC300;
	[sflag:s5] =	ssyncadd.s32 $0xFFFFBF00  }
0x16: {  	[tilespmem:s8], [sflag:$0x1] =	stream.linear.gather [hbm4b:s31+s2], $0x80, $0x38;
	[tilespmem:$0xEB00] =	vst v63  }
0x17: {  	s12 =	simm.s32 $0xC380;
	_ =	swait.ge [sflag:s5], $0x80  }
0x18: {  	s13 =	simm.s32 $0x0;
	s11 =	sshll.u32 s0, $0x6;
	[sflag:s5] =	ssyncset.done $0x0  }
0x19: {  	v0 =	vlaneseq.u32;
	s9 =	sadd.s32 $0x271A00, s10;
	s10 =	sadd.s32 $0x35400, s10;
	[sflag:s5] =	ssyncadd.s32 $0xFFFFFF80  }
.LBB2_1:
0x1a: {  	s14 =	sadd.s32 s11, s13  }
0x1b: {  	s14 =	sshrl.u32 s14, $0x3  }
0x1c: {  	s15 =	sshll.u32 s13, $0x7;
	s14 =	smul.u32 $0x13C00, s14  }
0x1d: {  	s15 =	sand.u32 $0x380, s15  }
0x1e: {  	s14 =	sor.u32 s15, s14  }
0x1f: {  	s14 =	sshrl.u32 s14, $0x3  }
0x20: {  	v1 =	vmov s13;
	s31 =	sadd.s32 s9, s14  }
0x21: {  	[tilespmem:s12], [sflag:$0x1] =	stream.strided.gather [hbm4b:s31+s3], $0x2780, s4, s3, $0x38;
	[tilespmem:$0xEB00] =	vst v63  }
0x22: {  	_ =	swait.ge [sflag:s5], $0x2780  }
0x23: {  	[sflag:s5] =	ssyncset.done $0x0  }
0x24: {  	[sflag:s5] =	ssyncadd.s32 $0xFFFFD880  }
0x25: {  	s16 =	smov.u32 s6;
	s17 =	simm.s32 $0x0;
	s15 =	smov.u32 s2;
	v1 =	vld.idx.msk [tilespmem:v1+s8+$0x0], $0xffff  }
.LBB2_2:
0x26: {  	v2 =	vld [tilespmem:s15+$0x0];
	_ =	sdelay $0x2  }
0x27: {  	v3 =	vor.u32 s17, v0  }
0x28: {  	vm0 =	vlt.s32 v3, v1  }
0x29: {  	v2 =	vnsel vm0, $0x0, v2;
	_ =	sdelay $0x3  }
0x2a: {  	v3 =	vld [tilespmem:s16+$0x0]  }
0x2b: {  	v2 =	vld.idx.msk [tilespmem:v2+s12+$0x0], vm0;
	_ =	sdelay $0x2  }
0x2c: {  	p0 =	sne.s32 s17, $0xF0  }
.Ltmp0:
0x2d: {  	_ = 	snop;
	(pc) =	sbr.rel @p0 .LBB2_2-.Ltmp0, $4  }
0x2e: {  	vm1 =	veq.f32 v2, v3  }
0x2f: {  	vm0 =	vmand vm0, vm1  }
0x30: {  	v2 =	vnsel vm0, $0xC0400000, v3  }
0x31: {  	s15 =	sadd.s32 $0x10, s15;
	s17 =	sadd.s32 $0x10, s17;
	[tilespmem:s16+$0x0] =	vst v2;
	s16 =	sadd.s32 $0x10, s16  }
0x32: {  	v2 =	vld [tilespmem:s6+$0x0];
	_ =	sdelay $0x1  }
0x33: {  	v3 =	vld [tilespmem:s2+$0x0]  }
0x34: {  	s15 =	simm.s32 $0x0  }
0x35: {  	v4 =	vor.u32 s15, v0  }
0x36: {  	vm0 =	vlt.s32 v4, v1;
	vm1 =	vge.f32 v2, $0.0e+00  }
0x37: {  	vm1 =	vmand vm0, vm1  }
0x38: {  	v2 =	vnsel vm0, $0x0, v3;
	v3 =	vld [tilespmem:s7+$0x0];
	_ =	sdelay $0x4  }
0x39: {  	s17 =	sadd.s32 $0x10, s6;
	s16 =	simm.s32 $0x10;
	[tilespmem:v2+s12+$0x0] =	vst.idx.msk vm1, v3  }
0x3a: {  	s19 =	simm.s32 $0x20;
	s18 =	smov.u32 s2;
	s15 =	smov.u32 s7;
	v2 =	vld [tilespmem:s17+$0x0]  }
.LBB2_4:
0x3b: {  	p0 =	sne.s32 s19, $0xF0;
	s18 =	sadd.s32 $0x10, s18  }
0x3c: {  	v3 =	vld [tilespmem:s18+$0x0];
	_ =	sdelay $0x1  }
0x3d: {  	v4 =	vor.u32 s16, v0;
	s16 =	smov.u32 s19  }
0x3e: {  	vm0 =	vlt.s32 v4, v1;
	vm1 =	vge.f32 v2, $0.0e+00  }
0x3f: {  	s15 =	sadd.s32 $0x10, s15;
	vm1 =	vmand vm0, vm1  }
0x40: {  	v2 =	vnsel vm0, $0x0, v3;
	v3 =	vld [tilespmem:s15+$0x0];
	_ =	sdelay $0x1  }
.Ltmp1:
0x41: {  	(pc) =	sbr.rel @p0 .LBB2_4-.Ltmp1, $3  }
0x42: {  	_ =	sdelay $0x1  }
0x43: {  	s17 =	sadd.s32 $0x10, s17;
	[tilespmem:v2+s12+$0x0] =	vst.idx.msk vm1, v3  }
0x44: {  	s19 =	sadd.s32 $0x10, s19;
	v2 =	vld [tilespmem:s17+$0x0]  }
0x45: {  	s17 =	sadd.s32 $0x10, s18  }
0x46: {  	v3 =	vld [tilespmem:s17+$0x0];
	_ =	sdelay $0x1  }
0x47: {  	v4 =	vor.u32 s16, v0  }
0x48: {  	vm0 =	vlt.s32 v4, v1;
	vm1 =	vge.f32 v2, $0.0e+00  }
0x49: {  	s15 =	sadd.s32 $0x10, s15;
	vm1 =	vmand vm0, vm1  }
0x4a: {  	v2 =	vld [tilespmem:s15+$0x0];
	v1 =	vnsel vm0, $0x0, v3;
	_ =	sdelay $0x2  }
0x4b: {  	s13 =	sadd.s32 $0x1, s13  }
0x4c: {  	p0 =	sne.s32 s13, $0x40  }
.Ltmp2:
0x4d: {  	s14 =	sadd.s32 s10, s14;
	[tilespmem:v1+s12+$0x0] =	vst.idx.msk vm1, v2;
	(pc) =	sbr.rel @p0 .LBB2_1-.Ltmp2, $4  }
0x4e: {  	[hbm4b:s14+s3] =	stream.strided.scatter [tilespmem:s12], [sflag:$0x1], $0x2780, s4, s3, $0x38;
	[tilespmem:$0xEB00] =	vst v63  }
0x4f: {  	_ =	swait.ge [sflag:s5], $0x2780  }
0x50: {  	s6 =	sadd.s32 $0x100, s6;
	[sflag:s5] =	ssyncset.done $0x0  }
0x51: {  	s2 =	sadd.s32 $0x100, s2;
	s7 =	sadd.s32 $0x100, s7;
	[sflag:s5] =	ssyncadd.s32 $0xFFFFD880  }
0x52: {  	_ =	sfence.sel $0x180000  }
0x53: {  	[bflag:$0x0] =	sbarrier.arrive $0xFFFF  }
0x54: {  	p0 =	sne.s32 s0, $0x0;
	_ =	strace $0x9000004D  }
0x55: {  	s0 =	sadd.s32 @!p0 $0x100000, s1;
	[bflag:$0x2] =	sbarrier.arrive $0xFFFF  }
0x56: {  	[sflag:s0] =	ssyncadd.tile.s32 @!p0 $0x1;
	_ =	shalt  }
.Lfunc_end2:
_tile_overlayer_lowered:
.L_overlay_start_2:
0x57: {  	(tag) =	ssettag $0x2  }
0x58: {  	s0 =	rddreg [dreg:$0x0];
	s2 =	stileid.u32  }
0x59: {  	s1 =	rddreg [dreg:$0x1];
	p0 =	sne.s32 s2, $0x0  }
0x5a: {  	s3 =	rddreg [dreg:$0x2];
	[bflag:$0x3] =	sbarrier.arrive $0xFFFF;
	s2 =	simm.s32 @!p0 $0x1C01  }
0x5b: {  	[timem:s3], [sflag:s2] =	dma.local @!p0 [hbm:s0], s1  }
0x5c: {  	s0 =	simm.s32 @!p0 $0x1  }
0x5d: {  	_ =	swait.ge @!p0 [sflag:s0], s1  }
0x5e: {  	s1 =	ssub.s32 @!p0 $0x0, s1;
	[sflag:s0] =	ssyncset.done @!p0 $0x0  }
0x5f: {  	[sflag:s0] =	ssyncadd.s32 @!p0 s1  }
0x60: {  	[bflag:$0x3] =	sbarrier.arrive $0xFFFF  }
0x61: {  	_ =	shalt  }

// kernel: kernel.7.cloned.1.call-start
scs
__scs_entry_jumppad:
0x0: {  	(pc) =	sbr.rel $0x88, $3  }
0x1: {  	(tag) =	ssettag $0x0;
	lr =	simm.s32 $0x1  }
0x2: {  	[smem:$0x3F9C] =	sst lr;
	_ =	strace $0xD0000000  }
0x3: {  	_ = 	snop  }
0x4: {  	_ = 	snop  }
0x5: {  	_ = 	snop  }
0x6: {  	_ = 	snop  }
0x7: {  	_ = 	snop  }
__scs_overlays_trampoline_lowered:
0x8: {  	[smem:$0x3FAB] =	sst s0  }
0x9: {  	[smem:$0x3FAC] =	sst s1  }
0xa: {  	[smem:$0x3FAD] =	sst s2  }
0xb: {  	[smem:$0x3FAE] =	sst s3  }
0xc: {  	[smem:$0x3FAF] =	sst s4  }
0xd: {  	[smem:$0x3FB0] =	sst s5  }
0xe: {  	[smem:$0x3FB1] =	sst s6  }
0xf: {  	[smem:$0x3FB2] =	sst s7  }
0x10: {  	[smem:$0x3FB3] =	sst s8  }
0x11: {  	[smem:$0x3FB4] =	sst s9;
	s0 =	simm.s32 @!p0 $0x0  }
0x12: {  	s1 =	sld [smem:$0x3F9A];
	s0 =	simm.s32 @p0 $0x1  }
0x13: {  	[smem:$0x3FB5] =	sst s0;
	s0 =	simm.s32 @!p1 $0x0  }
0x14: {  	s2 =	sld [smem:$0x3F99];
	s0 =	simm.s32 @p1 $0x1  }
0x15: {  	[smem:$0x3FB6] =	sst s0;
	s0 =	simm.s32 @!p2 $0x0  }
0x16: {  	s3 =	sld [smem:$0x3FDB];
	s0 =	simm.s32 @p2 $0x1  }
0x17: {  	s4 =	simm.s32 $0x1BF5;
	[smem:$0x3FB8] =	sst s0  }
0x18: {  	s0 =	sld [smem:$0x3F9B];
	_ =	swait.ge [sflag:s4], $0x0  }
0x19: {  	s7 =	sld [smem:$0x3F9C]  }
0x1a: {  	s8 =	sadd.s32 $0xFFFFE003, lr  }
0x1b: {  	s9 =	sadd.s32 $0xFFFFFEF7, lr;
	s5 =	simm.s32 $0xFFFFFFFF;
	p2 =	slt.u32 s8, $0xFFFFF086  }
0x1c: {  	p1 =	slt.u32 s9, $0xF7A;
	s5 =	simm.s32 @!p2 $0x0  }
0x1d: {  	s5 =	simm.s32 @p1 $0x1;
	p0 =	seq.s32 s7, s2  }
0x1e: {  	s7 =	smul.u32 @!p0 $0xF7A, s2;
	p2 =	seq.s32 @!p0 s5, $0x0  }
0x1f: {  	s9 =	smul.u32 $0xF7A, s1;
	s8 =	simm.s32 @!p0 $0x1BF5;
	p2 =	por !p2, p0  }
0x20: {  	[sflag:s8] =	ssyncset.s32 @!p0 $0xFFFFF086;
	s6 =	sadd.s32 @!p0 s3, s7;
	s7 =	simm.s32 @!p0 $0x108  }
0x21: {  	s3 =	sadd.s32 s3, s9;
	s6 =	sadd.s32 @!p0 $0x88, s6;
	s7 =	simm.s32 @p2 $0x1082  }
0x22: {  	[simem:s7], [sflag:s8] =	dma.local @!p0 [hbm:s6], $0xF7A  }
0x23: {  	s9 =	sor.u32 $0xD0000000, s2;
	s6 =	simm.s32 $0x108;
	_ =	swait.ge @!p0 [sflag:s8], $0x0  }
0x24: {  	s3 =	sadd.s32 $0x88, s3;
	s6 =	simm.s32 @!p1 $0x1082;
	[sflag:s4] =	ssyncset.s32 $0xFFFFF086  }
0x25: {  	[simem:s6], [sflag:s4] =	dma.local [hbm:s3], $0xF7A  }
0x26: {  	[smem:$0x3F9C] =	sst s1;
	(tag) =	ssettag s2;
	_ =	strace s9  }
0x27: {  	s1 =	sld [smem:$0x3FAC]  }
0x28: {  	s2 =	sld [smem:$0x3FAD]  }
0x29: {  	s4 =	sld [smem:$0x3FAF]  }
0x2a: {  	p0 =	seq.s32 s5, $0x0;
	s5 =	sld [smem:$0x3FB0]  }
0x2b: {  	s6 =	sld [smem:$0x3FB1]  }
0x2c: {  	s7 =	sld [smem:$0x3FB2]  }
0x2d: {  	s3 =	simm.s32 $0x108;
	s8 =	sld [smem:$0x3FB3]  }
0x2e: {  	s3 =	simm.s32 @!p0 $0x1082;
	s9 =	sld [smem:$0x3FB4]  }
0x2f: {  	lr =	sadd.s32 s0, s3;
	s0 =	sld [smem:$0x3FAB]  }
0x30: {  	s3 =	sld [smem:$0x3FAE]  }
0x31: {  	[smem:$0x3FB7] =	sst s10  }
0x32: {  	s10 =	sld [smem:$0x3FB5];
	_ =	sdelay $0x3  }
0x33: {  	p0 =	seq.s32 s10, $0x1;
	s10 =	sld [smem:$0x3FB7];
	_ =	sdelay $0x3  }
0x34: {  	[smem:$0x3FB7] =	sst s10  }
0x35: {  	s10 =	sld [smem:$0x3FB6];
	_ =	sdelay $0x3  }
0x36: {  	p1 =	seq.s32 s10, $0x1;
	s10 =	sld [smem:$0x3FB7];
	_ =	sdelay $0x3  }
0x37: {  	[smem:$0x3FB7] =	sst s10  }
0x38: {  	s10 =	sld [smem:$0x3FB8]  }
0x39: {  	_ = 	snop;
	(pc) =	sbr.ind lr, $3  }
0x3a: {  	_ = 	snop  }
0x3b: {  	_ = 	snop  }
0x3c: {  	p2 =	seq.s32 s10, $0x1;
	s10 =	sld [smem:$0x3FB7]  }
0x3d: {  	_ =	shalt  }
0x3e: {  	_ =	shalt  }
0x3f: {  	_ =	shalt  }
0x40: {  	_ =	shalt  }
0x41: {  	_ =	shalt  }
0x42: {  	_ =	shalt  }
0x43: {  	_ =	shalt  }
0x44: {  	_ =	shalt  }
0x45: {  	_ =	shalt  }
0x46: {  	_ =	shalt  }
0x47: {  	_ =	shalt  }
0x48: {  	_ =	shalt  }
0x49: {  	_ =	shalt  }
0x4a: {  	_ =	shalt  }
0x4b: {  	_ =	shalt  }
0x4c: {  	_ =	shalt  }
0x4d: {  	_ =	shalt  }
0x4e: {  	_ =	shalt  }
0x4f: {  	_ =	shalt  }
0x50: {  	_ =	shalt  }
0x51: {  	_ =	shalt  }
0x52: {  	_ =	shalt  }
0x53: {  	_ =	shalt  }
0x54: {  	_ =	shalt  }
0x55: {  	_ =	shalt  }
0x56: {  	_ =	shalt  }
0x57: {  	_ =	shalt  }
0x58: {  	_ =	shalt  }
0x59: {  	_ =	shalt  }
0x5a: {  	_ =	shalt  }
0x5b: {  	_ =	shalt  }
0x5c: {  	_ =	shalt  }
0x5d: {  	_ =	shalt  }
0x5e: {  	_ =	shalt  }
0x5f: {  	_ =	shalt  }
0x60: {  	_ =	shalt  }
0x61: {  	_ =	shalt  }
0x62: {  	_ =	shalt  }
0x63: {  	_ =	shalt  }
0x64: {  	_ =	shalt  }
0x65: {  	_ =	shalt  }
0x66: {  	_ =	shalt  }
0x67: {  	_ =	shalt  }
0x68: {  	_ =	shalt  }
0x69: {  	_ =	shalt  }
0x6a: {  	_ =	shalt  }
0x6b: {  	_ =	shalt  }
0x6c: {  	_ =	shalt  }
0x6d: {  	_ =	shalt  }
0x6e: {  	_ =	shalt  }
0x6f: {  	_ =	shalt  }
0x70: {  	_ =	shalt  }
0x71: {  	_ =	shalt  }
0x72: {  	_ =	shalt  }
0x73: {  	_ =	shalt  }
0x74: {  	_ =	shalt  }
0x75: {  	_ =	shalt  }
0x76: {  	_ =	shalt  }
0x77: {  	_ =	shalt  }
0x78: {  	_ =	shalt  }
0x79: {  	_ =	shalt  }
0x7a: {  	_ =	shalt  }
0x7b: {  	_ =	shalt  }
0x7c: {  	_ =	shalt  }
0x7d: {  	_ =	shalt  }
0x7e: {  	_ =	shalt  }
0x7f: {  	_ =	shalt  }
0x80: {  	_ =	shalt  }
0x81: {  	_ =	shalt  }
0x82: {  	_ =	shalt  }
0x83: {  	_ =	shalt  }
0x84: {  	_ =	shalt  }
0x85: {  	_ =	shalt  }
0x86: {  	_ =	shalt  }
0x87: {  	_ =	shalt  }
.Lfunc_end0:
.L_simem_size_0:
called_computation.1_lowered:
.L_overlay_start_0:
0x88: {  	s0 =	sld [smem:$0x3FD9]  }
0x89: {  	s1 =	sld [smem:$0x3FFE];
	_ =	sdelay $0x3  }
0x8a: {  	s0 =	sadd.s32 s1, s0  }
0x8b: {  	[smem:$0x3FC3] =	sst s0  }
0x8c: {  	_ = 	snop  }
0x8d: {  	s0 =	sld [smem:$0x3FC7]  }
0x8e: {  	s16 =	sld [smem:$0x3FD0];
	(tm) =	ssettm $0x1  }
0x8f: {  	s2 =	sld [smem:$0x3FFB];
	_ =	sdelay $0x3  }
0x90: {  	_ =	strace s2  }
0x91: {  	s2 =	sld [smem:$0x3FFC];
	_ =	sdelay $0x3  }
0x92: {  	_ =	strace s2  }
0x93: {  	s2 =	sld [smem:$0x3FFD];
	_ =	sdelay $0x3  }
0x94: {  	_ =	strace s2  }
0x95: {  	_ =	strace $0x8FFFFFFF  }
0x96: {  	s17 =	sld [smem:$0x3FDB];
	_ =	sdelay $0x1  }
0x97: {  	s3 =	simm.s32 $_scs_section_size  }
0x98: {  	s4 =	simm.s32 $_size__tile_overlayer_lowered;
	s5 =	simm.s32 $_tile_overlayer_lowered  }
0x99: {  	s20 =	simm.s32 $0x1BFF;
	s19 =	sshll.u32 s5, $0x1;
	s2 =	sadd.s32 s3, s17  }
0x9a: {  	s6 =	simm.s32 $0x0;
	s18 =	sshll.u32 s4, $0x1;
	s4 =	sadd.s32 s19, s2  }
0x9b: {  	[timem:s6], [sflag:s20] =	dma.local [hbm:s4], s18  }
0x9c: {  	_ =	swait.ge [sflag:s20], s18  }
0x9d: {  	s3 =	ssub.s32 $0x0, s18;
	[sflag:s20] =	ssyncset.done $0x0  }
0x9e: {  	[sflag:s20] =	ssyncadd.s32 s3;
	_ =	sdelay $0x1  }
0x9f: {  	s21 =	simm.s32 $0x1B8B  }
0xa0: {  	_ =	swait.ge [sflag:s21], $0x1  }
0xa1: {  	[sflag:s21] =	ssyncset.done $0x0  }
0xa2: {  	s23 =	simm.s32 $0x1B8E;
	s22 =	sld [smem:$0x3FFE];
	[sflag:s21] =	ssyncadd.s32 $0xFFFFFFFF  }
0xa3: {  	s24 =	simm.s32 $execute0_lowered;
	[smem:$0x3FD2] =	sst s23  }
0xa4: {  	s4 =	sshll.u32 s24, $0x1;
	_ =	strace $0x80000049;
	[dreg:$0x1] =	wrdreg $0xFFFFFFFF  }
0xa5: {  	s25 =	simm.s32 $_size_execute0_lowered;
	s2 =	sadd.s32 s2, s4;
	[dreg:$0x0] =	wrdreg $0x0  }
0xa6: {  	s4 =	sshll.u32 s25, $0x1;
	[dreg:$0x2] =	wrdreg s2  }
0xa7: {  	[dreg:$0x3] =	wrdreg s4  }
0xa8: {  	[dreg:$0x4] =	wrdreg $0xC0  }
0xa9: {  	_ =	task [dreg:s6], $0x5FFFF  }
0xaa: {  	[dreg:$0x1] =	wrdreg $0xFFFFFFFF  }
0xab: {  	[dreg:$0x0] =	wrdreg $0x60  }
0xac: {  	[dreg:$0x2] =	wrdreg s0  }
0xad: {  	[dreg:$0x3] =	wrdreg s22  }
0xae: {  	[dreg:$0x4] =	wrdreg s16  }
0xaf: {  	[dreg:$0x5] =	wrdreg $0xA  }
0xb0: {  	_ =	task.clear_ibuf [dreg:s6], $0x6FFFF;
	_ =	strace $0x90000049  }
0xb1: {  	s26 =	simm.s32 $0xA;
	_ =	strace $0x8000004B  }
0xb2: {  	_ =	swait.ge [sflag:s26], $0x1  }
0xb3: {  	[sflag:s26] =	ssyncadd.s32 $0xFFFFFFFF  }
0xb4: {  	_ =	strace $0x9000004B  }
0xb5: {  	_ =	sfence  }
0xb6: {  	s28 =	sld [smem:$0x0];
	_ =	sdelay $0x1  }
0xb7: {  	s29 =	srdreg.scid  }
0xb8: {  	s30 =	sshll.u32 s29, $0xD;
	s31 =	sshrl.u32 s29, $0x2  }
0xb9: {  	s1 =	sand.u32 $0x1, s29;
	s2 =	sand.u32 $0x4000, s30;
	s0 =	sadd.s32 s31, s28  }
0xba: {  	s1 =	sor.u32 s2, s1;
	s0 =	sshll.u32 s0, $0x11  }
0xbb: {  	s0 =	sor.u32 s0, s1  }
0xbc: {  	s0 =	sadd.s32 $0x8F2B, s0  }
0xbd: {  	[sflag:s0] =	ssyncadd.remote.s32 $0x1  }
0xbe: {  	_ =	sfence.sel $0xFFFF  }
0xbf: {  	[dreg:$0x0] =	wrdreg $0xFFFFFFFF;
	(pc) =	sbr.abs _section_cstart, $3  }
0xc0: {  	[dreg:$0x1] =	wrdreg $0xFFFFFFFF  }
0xc1: {  	_ =	task.clear_ibuf [dreg:s6], $0x2FFFF;
	_ =	strace $0x9FFFFFFF  }
0xc2: {  	(tm) =	ssettm $0x7FFFFFFF  }
0xc3: {  	_ =	shalt  }
tec
execute0_lowered:
.L_overlay_start_1:
0x0: {  	(tag) =	ssettag $0x1  }
0x1: {  	s10 =	rddreg [dreg:$0x0]  }
0x2: {  	s2 =	rddreg [dreg:$0x1]  }
0x3: {  	s1 =	rddreg [dreg:$0x2]  }
0x4: {  	s0 =	rddreg [dreg:$0x3];
	s11 =	simm.s32 $0x0;
	s4 =	simm.s32 $0x80  }
0x5: {  	s16 =	simm.s32 $0x100;
	s14 =	simm.s32 $0x1;
	s15 =	simm.s32 $0x2780  }
0x6: {  	s17 =	simm.s32 $0x4F00;
	s18 =	simm.s32 $0x5700;
	s19 =	simm.s32 $0x5F00  }
0x7: {  	s20 =	simm.s32 $0xF700;
	s21 =	simm.s32 $0x6700;
	[smem:$0x7FF] =	sst s11  }
0x8: {  	s22 =	simm.s32 $0x9700;
	s23 =	simm.s32 $0xC700;
	_ =	strace $0x8000004A  }
0x9: {  	[tilespmem:s11], [sflag:$0x1] =	stream.strided.gather [hbm4b:s1+s4], $0x2780, s16, s4, $0x38;
	[tilespmem:$0x1C580] =	vst v63  }
0xa: {  	s25 =	simm.s32 $0x0;
	s12 =	sadd.s32 $0x5A00, s2;
	_ =	swait.ge [sflag:s14], $0x2780  }
0xb: {  	s13 =	sadd.s32 $0xA00, s2;
	s5 =	sadd.s32 $0xAA00, s2;
	[sflag:s14] =	ssyncset.done $0x0  }
0xc: {  	s6 =	sadd.s32 $0x10A00, s2;
	s1 =	sadd.s32 $0x10, s1;
	[sflag:s14] =	ssyncadd.s32 $0xFFFFD880  }
0xd: {  	[tilespmem:s15], [sflag:$0x1] =	stream.strided.gather [hbm4b:s1+s4], $0x2780, s16, s4, $0x38;
	[tilespmem:$0x1C580] =	vst v63  }
0xe: {  	s8 =	sadd.s32 $0x16A00, s2;
	s1 =	stileid.u32;
	_ =	swait.ge [sflag:s14], $0x2780  }
0xf: {  	s9 =	sadd.s32 $0x1CA00, s2;
	s16 =	smul.u32 $0x2710, s1;
	[sflag:s14] =	ssyncset.done $0x0  }
0x10: {  	v0 =	vimm.s32 $0x0;
	s7 =	sadd.s32 $0x1CC00, s2;
	s3 =	sadd.s32 $0x24E00, s2;
	[sflag:s14] =	ssyncadd.s32 $0xFFFFD880  }
0x11: {  	s4 =	sadd.s32 $0x2D000, s2;
	s2 =	sadd.s32 $0x35200, s2;
	s24 =	smov.u32 s16;
	[tilespmem:$0xF700] =	vst v0;
	v0 =	vlaneseq.u32  }
.LBB2_1:
0x12: {  	s26 =	smul.u32 $0x7D0, s25;
	_ =	sdelay $0x1  }
0x13: {  	s26 =	sadd.s32 s16, s26  }
0x14: {  	s26 =	sshrl.u32 s26, $0x3  }
0x15: {  	s28 =	sadd.s32 s10, s26  }
0x16: {  	[tilespmem:s17], [sflag:$0x1] =	stream.linear.gather [hbm4b:s28+s11], $0x7D0, $0x38;
	[tilespmem:$0x1C580] =	vst v63  }
0x17: {  	_ =	swait.ge [sflag:s14], $0x7D0  }
0x18: {  	[sflag:s14] =	ssyncset.done $0x0  }
0x19: {  	s28 =	sadd.s32 s12, s26;
	[sflag:s14] =	ssyncadd.s32 $0xFFFFF830  }
0x1a: {  	[tilespmem:s18], [sflag:$0x1] =	stream.linear.gather [hbm4b:s28+s11], $0x7D0, $0x38;
	[tilespmem:$0x1C580] =	vst v63  }
0x1b: {  	_ =	swait.ge [sflag:s14], $0x7D0  }
0x1c: {  	[sflag:s14] =	ssyncset.done $0x0  }
0x1d: {  	s26 =	sadd.s32 s13, s26;
	[sflag:s14] =	ssyncadd.s32 $0xFFFFF830  }
0x1e: {  	[tilespmem:s19], [sflag:$0x1] =	stream.linear.gather [hbm4b:s26+s11], $0x7D0, $0x38;
	[tilespmem:$0x1C580] =	vst v63  }
0x1f: {  	_ =	swait.ge [sflag:s14], $0x7D0  }
0x20: {  	[sflag:s14] =	ssyncset.done $0x0  }
0x21: {  	s31 =	simm.s32 $0x0;
	[sflag:s14] =	ssyncadd.s32 $0xFFFFF830  }
0x22: {  	v3 =	vld [tilespmem:s31+$0x4F00];
	_ =	sdelay $0x4  }
0x23: {  	v1 =	vshra.s32 v3, $0x6  }
0x24: {  	(xrf1) =	vunique.msk.u32 $0xffff, v1;
	_ =	sdelay $0x4  }
0x25: {  	v2 =	vld [tilespmem:s31+$0x5700]  }
0x26: {  	v4 =	vld [tilespmem:s31+$0x5F00];
	_ =	sdelay $0x3  }
0x27: {  	v5 =	vld.idx.msk [tilespmem:v1+s20+$0x0], $0xffff;
	_ =	sdelay $0x2  }
0x28: {  	v6 =	vld.idx.msk [tilespmem:v2+s11+$0x0], $0xffff  }
0x29: {  	v8 =	vmul.u32 $0x300, v1;
	v7 =	vld.idx.msk [tilespmem:v4+s15+$0x0], $0xffff;
	_, v2, vm0 =	vpop (xrf1)  }
0x2a: {  	v2 =	vadd.s32 v2, v5  }
0x2b: {  	v5 =	vadd.s32 v2, v8  }
0x2c: {  	v5 =	vadd.s32 $0xFFFFFFFF, v5;
	_ =	sdelay $0x1  }
0x2d: {  	v6 =	vadd.f32 v7, v6  }
0x2e: {  	v62 =	vor.u32 s24, v0;
	v3 =	vshll.u32 v3, $0xE  }
0x2f: {  	v3 =	vadd.s32 v4, v3;
	v7 =	vcvt.s32.f32 v62;
	v63 =	vmul.f32 $2.000000030e-01, v6  }
0x30: {  	vm1 =	vgt.f32 v6, $0.0e+00;
	[tilespmem:v5+s21+$0x0] =	vst.idx.msk $0xffff, v3  }
0x31: {  	v3 =	vsel vm1, v6, v63;
	[tilespmem:v5+s22+$0x0] =	vst.idx.msk $0xffff, v7  }
0x32: {  	s29 =	simm.s32 $0x80;
	s28 =	simm.s32 $0x40;
	s26 =	smov.u32 s24;
	[tilespmem:v5+s23+$0x0] =	vst.idx.msk $0xffff, v3  }
.LBB2_2:
0x33: {  	s30 =	sshra.s32 s28, $0x2  }
0x34: {  	[tilespmem:v1+s20+$0x0] =	vst.idx.msk vm0, v2;
	s26 =	sadd.s32 $0x10, s26;
	s28 =	smov.u32 s29;
	s31 =	sadd.s32 $0x40, s29  }
0x35: {  	p0 =	sne.s32 s29, $0x1F00;
	v3 =	vld [tilespmem:s30+$0x4F00];
	_ =	sdelay $0x4  }
0x36: {  	v1 =	vshra.s32 v3, $0x6  }
0x37: {  	(xrf1) =	vunique.msk.u32 $0xffff, v1;
	_ =	sdelay $0x3  }
0x38: {  	v2 =	vld [tilespmem:s30+$0x5700]  }
0x39: {  	v4 =	vld [tilespmem:s30+$0x5F00];
	_ =	sdelay $0x3  }
0x3a: {  	v5 =	vld.idx.msk [tilespmem:v1+s20+$0x0], $0xffff;
	_ =	sdelay $0x2  }
0x3b: {  	v6 =	vld.idx.msk [tilespmem:v2+s11+$0x0], $0xffff  }
0x3c: {  	v7 =	vld.idx.msk [tilespmem:v4+s15+$0x0], $0xffff  }
0x3d: {  	v8 =	vmul.u32 $0x300, v1;
	_, v2, vm0 =	vpop (xrf1)  }
0x3e: {  	v2 =	vadd.s32 v2, v5  }
0x3f: {  	v5 =	vadd.s32 v2, v8  }
0x40: {  	v5 =	vadd.s32 $0xFFFFFFFF, v5;
	_ =	sdelay $0x1  }
0x41: {  	v6 =	vadd.f32 v7, v6  }
.Ltmp0:
0x42: {  	v3 =	vshll.u32 v3, $0xE;
	v7 =	vor.u32 s26, v0;
	(pc) =	sbr.rel @p0 .LBB2_2-.Ltmp0, $4  }
0x43: {  	v3 =	vadd.s32 v4, v3;
	v7 =	vcvt.s32.f32 v7;
	v8 =	vmul.f32 $2.000000030e-01, v6  }
0x44: {  	vm1 =	vgt.f32 v6, $0.0e+00;
	[tilespmem:v5+s21+$0x0] =	vst.idx.msk $0xffff, v3  }
0x45: {  	v3 =	vsel vm1, v6, v8;
	[tilespmem:v5+s22+$0x0] =	vst.idx.msk $0xffff, v7  }
0x46: {  	s29 =	smov.u32 s31;
	[tilespmem:v5+s23+$0x0] =	vst.idx.msk $0xffff, v3  }
0x47: {  	_ =	sdelay $0x4  }
0x48: {  	s28 =	sshra.s32 s28, $0x2;
	[tilespmem:v1+s20+$0x0] =	vst.idx.msk vm0, v2  }
0x49: {  	v1 =	vld [tilespmem:s28+$0x4F00];
	_ =	sdelay $0x4  }
0x4a: {  	v2 =	vshra.s32 v1, $0x6  }
0x4b: {  	(xrf1) =	vunique.msk.u32 $0xffff, v2;
	_ =	sdelay $0x4  }
0x4c: {  	v3 =	vld [tilespmem:s28+$0x5700]  }
0x4d: {  	v4 =	vld [tilespmem:s28+$0x5F00];
	_ =	sdelay $0x3  }
0x4e: {  	v5 =	vld.idx.msk [tilespmem:v2+s20+$0x0], $0xffff;
	_ =	sdelay $0x2  }
0x4f: {  	v3 =	vld.idx.msk [tilespmem:v3+s11+$0x0], $0xffff  }
0x50: {  	v7 =	vmul.u32 $0x300, v2;
	v6 =	vld.idx.msk [tilespmem:v4+s15+$0x0], $0xffff;
	_, v8, vm15 =	vpop (xrf1)  }
0x51: {  	v5 =	vadd.s32 v8, v5  }
0x52: {  	v7 =	vadd.s32 v5, v7  }
0x53: {  	v7 =	vadd.s32 $0xFFFFFFFF, v7;
	_ =	sdelay $0x1  }
0x54: {  	s26 =	sadd.s32 $0x10, s26;
	s25 =	sadd.s32 $0x1, s25;
	v3 =	vadd.f32 v6, v3  }
0x55: {  	v62 =	vor.u32 s26, v0;
	p0 =	sne.s32 s25, $0x5;
	v1 =	vshll.u32 v1, $0xE  }
.Ltmp1:
0x56: {  	v1 =	vadd.s32 v4, v1;
	v6 =	vcvt.s32.f32 v62;
	v63 =	vmul.f32 $2.000000030e-01, v3;
	(pc) =	sbr.rel @p0 .LBB2_1-.Ltmp1, $4  }
0x57: {  	vm1 =	vgt.f32 v3, $0.0e+00;
	[tilespmem:v7+s21+$0x0] =	vst.idx.msk $0xffff, v1  }
0x58: {  	v1 =	vsel vm1, v3, v63;
	[tilespmem:v7+s22+$0x0] =	vst.idx.msk $0xffff, v6  }
0x59: {  	[tilespmem:v7+s23+$0x0] =	vst.idx.msk $0xffff, v1  }
0x5a: {  	s24 =	sadd.s32 $0x7D0, s24;
	[tilespmem:v2+s20+$0x0] =	vst.idx.msk vm15, v5  }
0x5b: {  	s10 =	sshrl.u32 s1, $0x3  }
0x5c: {  	s11 =	sshll.u32 s1, $0x7;
	s12 =	smul.u32 $0x18000, s10  }
0x5d: {  	s11 =	sand.u32 $0x380, s11  }
0x5e: {  	s12 =	sor.u32 s11, s12  }
0x5f: {  	s13 =	simm.s32 $0x400;
	s15 =	sshrl.u32 s12, $0x3  }
0x60: {  	s16 =	simm.s32 $0x6700;
	s12 =	simm.s32 $0x80;
	s14 =	sadd.s32 s5, s15  }
0x61: {  	[hbm4b:s14+s12] =	stream.strided.scatter [tilespmem:s16], [sflag:$0x1], $0x3000, s13, s12, $0x38;
	[tilespmem:$0x1C580] =	vst v63  }
0x62: {  	s14 =	simm.s32 $0x1  }
0x63: {  	_ =	swait.ge [sflag:s14], $0x3000  }
0x64: {  	[sflag:s14] =	ssyncset.done $0x0  }
0x65: {  	s17 =	simm.s32 $0x9700;
	s26 =	sadd.s32 s6, s15;
	[sflag:s14] =	ssyncadd.s32 $0xFFFFD000  }
0x66: {  	[hbm4b:s26+s12] =	stream.strided.scatter [tilespmem:s17], [sflag:$0x1], $0x3000, s13, s12, $0x38;
	[tilespmem:$0x1C580] =	vst v63  }
0x67: {  	_ =	swait.ge [sflag:s14], $0x3000  }
0x68: {  	[sflag:s14] =	ssyncset.done $0x0  }
0x69: {  	s28 =	simm.s32 $0xC700;
	s15 =	sadd.s32 s8, s15;
	[sflag:s14] =	ssyncadd.s32 $0xFFFFD000  }
0x6a: {  	[hbm4b:s15+s12] =	stream.strided.scatter [tilespmem:s28], [sflag:$0x1], $0x3000, s13, s12, $0x38;
	[tilespmem:$0x1C580] =	vst v63  }
0x6b: {  	_ =	swait.ge [sflag:s14], $0x3000  }
0x6c: {  	s29 =	sshll.u32 s1, $0x1;
	s31 =	simm.s32 $0xF700;
	[sflag:s14] =	ssyncset.done $0x0  }
0x6d: {  	s30 =	sadd.s32 s9, s29;
	s15 =	simm.s32 $0x0;
	[sflag:s14] =	ssyncadd.s32 $0xFFFFD000  }
0x6e: {  	[hbm4b:s30+s15] =	stream.linear.scatter [tilespmem:s31], [sflag:$0x1], $0x10, $0x38;
	[tilespmem:$0x1C580] =	vst v63  }
0x6f: {  	_ =	swait.ge [sflag:s14], $0x10  }
0x70: {  	[sflag:s14] =	ssyncset.done $0x0  }
0x71: {  	[sflag:s14] =	ssyncadd.s32 $0xFFFFFFF0  }
0x72: {  	s16 =	simm.s32 $0x10080;
	[bflag:$0x0] =	sbarrier.arrive $0xFFFF  }
0x73: {  	[tilespmem:s16], [sflag:$0x1] =	stream.linear.gather [hbm4b:s9+s15], $0x100, $0x38;
	[tilespmem:$0x1C580] =	vst v63  }
0x74: {  	_ =	swait.ge [sflag:s14], $0x100  }
0x75: {  	[sflag:s14] =	ssyncset.done $0x0  }
0x76: {  	v1 =	vimm.s32 $0x0;
	[sflag:s14] =	ssyncadd.s32 $0xFFFFFF00  }
0x77: {  	[tilespmem:$0x1C500] =	vst v1  }
0x78: {  	[tilespmem:$0x1C510] =	vst v1  }
0x79: {  	s19 =	sshll.u32 s1, $0x6;
	[tilespmem:$0x1C520] =	vst v1  }
0x7a: {  	s18 =	simm.s32 $0x10200;
	s20 =	simm.s32 $0x18400;
	s21 =	simm.s32 $0x0;
	[tilespmem:$0x1C530] =	vst v1  }
0x7b: {  	v0 =	vmov s19;
	s19 =	simm.s32 $0x14300;
	s17 =	simm.s32 $0x1C500;
	s9 =	smul.u32 $0x1800, s1;
	[tilespmem:$0x1C540] =	vst v1;
	v1 =	vlaneseq.u32  }
.LBB2_5:
0x7c: {  	s22 =	sshrl.u32 s21, $0x3  }
0x7d: {  	s22 =	smul.u32 $0x18000, s22  }
0x7e: {  	s23 =	sshll.u32 s21, $0x7  }
0x7f: {  	s23 =	sand.u32 $0x380, s23;
	s22 =	sadd.s32 s9, s22  }
0x80: {  	s22 =	sor.u32 s23, s22  }
0x81: {  	s24 =	sshrl.u32 s22, $0x3  }
0x82: {  	s22 =	simm.s32 $0xF780;
	s30 =	sadd.s32 s5, s24  }
0x83: {  	[tilespmem:s22], [sflag:$0x1] =	stream.strided.gather [hbm4b:s30+s12], $0x300, s13, s12, $0x38;
	[tilespmem:$0x1C580] =	vst v63  }
0x84: {  	_ =	swait.ge [sflag:s14], $0x300  }
0x85: {  	[sflag:s14] =	ssyncset.done $0x0  }
0x86: {  	s23 =	simm.s32 $0xFA80;
	s25 =	sadd.s32 s6, s24;
	[sflag:s14] =	ssyncadd.s32 $0xFFFFFD00  }
0x87: {  	[tilespmem:s23], [sflag:$0x1] =	stream.strided.gather [hbm4b:s25+s12], $0x300, s13, s12, $0x38;
	[tilespmem:$0x1C580] =	vst v63  }
0x88: {  	_ =	swait.ge [sflag:s14], $0x300  }
0x89: {  	s31 =	sshll.u32 s21, $0x4;
	s26 =	sadd.s32 s8, s24;
	[sflag:s14] =	ssyncset.done $0x0  }
0x8a: {  	s24 =	simm.s32 $0xFD80;
	s25 =	sor.u32 s1, s31;
	[sflag:s14] =	ssyncadd.s32 $0xFFFFFD00  }
0x8b: {  	v2 =	vmov s25;
	[tilespmem:s24], [sflag:$0x1] =	stream.strided.gather [hbm4b:s26+s12], $0x300, s13, s12, $0x38;
	[tilespmem:$0x1C580] =	vst v63  }
0x8c: {  	_ =	swait.ge [sflag:s14], $0x300  }
0x8d: {  	[sflag:s14] =	ssyncset.done $0x0  }
0x8e: {  	[sflag:s14] =	ssyncadd.s32 $0xFFFFFD00  }
0x8f: {  	v5 =	vld [tilespmem:s22+$0x0]  }
0x90: {  	v2 =	vld.idx.msk [tilespmem:v2+s16+$0x0], $0xffff;
	_ =	sdelay $0x3  }
0x91: {  	v3 =	vor.u32 s15, v1;
	v4 =	vshra.s32 v5, $0xE  }
0x92: {  	vm0 =	vlt.s32 v3, v2;
	v3 =	vsub.s32 v4, v0  }
0x93: {  	v3 =	vnsel vm0, $0x40, v3  }
0x94: {  	(xrf1) =	vunique.msk.u32 $0xffff, v3;
	_ =	sdelay $0x9  }
0x95: {  	v4 =	vld.idx.msk [tilespmem:v3+s17+$0x0], $0xffff;
	_ =	sdelay $0x3  }
0x96: {  	_, v6, vm1 =	vpop (xrf1)  }
0x97: {  	v4 =	vadd.s32 v4, v6;
	v6 =	vshll.u32 v3, $0x8  }
0x98: {  	v6 =	vadd.s32 v4, v6  }
0x99: {  	v6 =	vadd.s32 $0xFFFFFFFF, v6;
	_ =	sdelay $0x3  }
0x9a: {  	v5 =	vand.u32 $0x3FFF, v5  }
0x9b: {  	[tilespmem:v6+s18+$0x0] =	vst.idx.msk $0xffff, v5  }
0x9c: {  	v5 =	vld [tilespmem:s23+$0x0];
	_ =	sdelay $0x4  }
0x9d: {  	[tilespmem:v6+s19+$0x0] =	vst.idx.msk $0xffff, v5  }
0x9e: {  	vm0 =	vmand vm0, vm1;
	v5 =	vld [tilespmem:s24+$0x0];
	_ =	sdelay $0x4  }
0x9f: {  	s25 =	simm.s32 $0x10;
	[tilespmem:v6+s20+$0x0] =	vst.idx.msk $0xffff, v5  }
.LBB2_6:
0xa0: {  	[tilespmem:v3+s17+$0x0] =	vst.idx.msk vm0, v4;
	s22 =	sadd.s32 $0x10, s22;
	s23 =	sadd.s32 $0x10, s23;
	s24 =	sadd.s32 $0x10, s24  }
0xa1: {  	p0 =	sne.s32 s25, $0x2F0;
	s26 =	smov.u32 s25;
	s25 =	sadd.s32 $0x10, s25;
	v5 =	vld [tilespmem:s22+$0x0]  }
0xa2: {  	_ =	sdelay $0x3  }
0xa3: {  	v3 =	vor.u32 s26, v1;
	v4 =	vshra.s32 v5, $0xE  }
0xa4: {  	vm0 =	vlt.s32 v3, v2;
	v3 =	vsub.s32 v4, v0  }
0xa5: {  	v3 =	vnsel vm0, $0x40, v3  }
0xa6: {  	(xrf1) =	vunique.msk.u32 $0xffff, v3;
	_ =	sdelay $0x8  }
0xa7: {  	v4 =	vld.idx.msk [tilespmem:v3+s17+$0x0], $0xffff;
	_ =	sdelay $0x4  }
0xa8: {  	_, v6, vm1 =	vpop (xrf1)  }
0xa9: {  	v4 =	vadd.s32 v4, v6;
	v6 =	vshll.u32 v3, $0x8;
	vm0 =	vmand vm0, vm1  }
0xaa: {  	v6 =	vadd.s32 v4, v6  }
0xab: {  	v6 =	vadd.s32 $0xFFFFFFFF, v6;
	_ =	sdelay $0x3  }
0xac: {  	v5 =	vand.u32 $0x3FFF, v5  }
0xad: {  	[tilespmem:v6+s18+$0x0] =	vst.idx.msk $0xffff, v5  }
0xae: {  	v5 =	vld [tilespmem:s23+$0x0];
	_ =	sdelay $0x4  }
0xaf: {  	[tilespmem:v6+s19+$0x0] =	vst.idx.msk $0xffff, v5  }
0xb0: {  	v5 =	vld [tilespmem:s24+$0x0]  }
.Ltmp2:
0xb1: {  	(pc) =	sbr.rel @p0 .LBB2_6-.Ltmp2, $2  }
0xb2: {  	_ =	sdelay $0x2  }
0xb3: {  	[tilespmem:v6+s20+$0x0] =	vst.idx.msk $0xffff, v5  }
0xb4: {  	s21 =	sadd.s32 $0x1, s21  }
0xb5: {  	p0 =	sne.s32 s21, $0x10  }
.Ltmp3:
0xb6: {  	_ = 	snop;
	(pc) =	sbr.rel @p0 .LBB2_5-.Ltmp3, $2  }
0xb7: {  	_ =	sdelay $0x2  }
0xb8: {  	[tilespmem:v3+s17+$0x0] =	vst.idx.msk vm0, v4  }
0xb9: {  	s5 =	smul.u32 $0x20800, s10;
	_ =	sdelay $0x1  }
0xba: {  	s5 =	sor.u32 s11, s5  }
0xbb: {  	s22 =	simm.s32 $0x80;
	s8 =	simm.s32 $0x400;
	s5 =	sshrl.u32 s5, $0x3  }
0xbc: {  	s9 =	simm.s32 $0x10200;
	s23 =	simm.s32 $0x1;
	s6 =	sadd.s32 s7, s5  }
0xbd: {  	[hbm4b:s6+s22] =	stream.strided.scatter [tilespmem:s9], [sflag:$0x1], $0x4100, s8, s22, $0x38;
	[tilespmem:$0x1C580] =	vst v63  }
0xbe: {  	_ =	swait.ge [sflag:s23], $0x4100  }
0xbf: {  	[sflag:s23] =	ssyncset.done $0x0  }
0xc0: {  	s24 =	simm.s32 $0x14300;
	s3 =	sadd.s32 s3, s5;
	[sflag:s23] =	ssyncadd.s32 $0xFFFFBF00  }
0xc1: {  	[hbm4b:s3+s22] =	stream.strided.scatter [tilespmem:s24], [sflag:$0x1], $0x4100, s8, s22, $0x38;
	[tilespmem:$0x1C580] =	vst v63  }
0xc2: {  	_ =	swait.ge [sflag:s23], $0x4100  }
0xc3: {  	s26 =	sshll.u32 s10, $0xA;
	[sflag:s23] =	ssyncset.done $0x0  }
0xc4: {  	s28 =	simm.s32 $0x18400;
	s25 =	sadd.s32 s4, s5;
	[sflag:s23] =	ssyncadd.s32 $0xFFFFBF00  }
0xc5: {  	[hbm4b:s25+s22] =	stream.strided.scatter [tilespmem:s28], [sflag:$0x1], $0x4100, s8, s22, $0x38;
	[tilespmem:$0x1C580] =	vst v63  }
0xc6: {  	s4 =	sor.u32 s11, s26;
	_ =	swait.ge [sflag:s23], $0x4100  }
0xc7: {  	s30 =	simm.s32 $0x0;
	s29 =	sshrl.u32 s4, $0x3;
	[sflag:s23] =	ssyncset.done $0x0  }
0xc8: {  	s31 =	simm.s32 $0x1C500;
	s2 =	sadd.s32 s2, s29;
	[sflag:s23] =	ssyncadd.s32 $0xFFFFBF00  }
0xc9: {  	[hbm4b:s2+s30] =	stream.linear.scatter [tilespmem:s31], [sflag:$0x1], $0x80, $0x38;
	[tilespmem:$0x1C580] =	vst v63  }
0xca: {  	_ =	swait.ge [sflag:s23], $0x80  }
0xcb: {  	[sflag:s23] =	ssyncset.done $0x0  }
0xcc: {  	[sflag:s23] =	ssyncadd.s32 $0xFFFFFF80  }
0xcd: {  	_ =	sfence.sel $0x180000  }
0xce: {  	[bflag:$0x0] =	sbarrier.arrive $0xFFFF  }
0xcf: {  	p0 =	sne.s32 s1, $0x0;
	_ =	strace $0x9000004A  }
0xd0: {  	s0 =	sadd.s32 @!p0 $0x100000, s0;
	[bflag:$0x2] =	sbarrier.arrive $0xFFFF  }
0xd1: {  	[sflag:s0] =	ssyncadd.tile.s32 @!p0 $0x1;
	_ =	shalt  }
.Lfunc_end2:
_tile_overlayer_lowered:
.L_overlay_start_2:
0xd2: {  	(tag) =	ssettag $0x2  }
0xd3: {  	s0 =	rddreg [dreg:$0x0];
	s2 =	stileid.u32  }
0xd4: {  	s1 =	rddreg [dreg:$0x1];
	p0 =	sne.s32 s2, $0x0  }
0xd5: {  	s3 =	rddreg [dreg:$0x2];
	[bflag:$0x3] =	sbarrier.arrive $0xFFFF;
	s2 =	simm.s32 @!p0 $0x1C01  }
0xd6: {  	[timem:s3], [sflag:s2] =	dma.local @!p0 [hbm:s0], s1  }
0xd7: {  	s0 =	simm.s32 @!p0 $0x1  }
0xd8: {  	_ =	swait.ge @!p0 [sflag:s0], s1  }
0xd9: {  	s1 =	ssub.s32 @!p0 $0x0, s1;
	[sflag:s0] =	ssyncset.done @!p0 $0x0  }
0xda: {  	[sflag:s0] =	ssyncadd.s32 @!p0 s1  }
0xdb: {  	[bflag:$0x3] =	sbarrier.arrive $0xFFFF  }
0xdc: {  	_ =	shalt  }

// kernel: sparse-core-data-format-call.cloned.1.call-start
scs
called_computation_lowered:
.L_overlay_start_0:
0x0: {  	s1 =	sld [smem:$0x3FD9]  }
0x1: {  	s2 =	sld [smem:$0x3FFE];
	_ =	sdelay $0x1  }
0x2: {  	s3 =	srdreg.scid  }
0x3: {  	s0 =	sand.u32 $0x1, s3  }
0x4: {  	s17 =	sshll.u32 s0, $0xA;
	s1 =	sadd.s32 s2, s1  }
0x5: {  	s1 =	sadd.s32 s1, s17  }
0x6: {  	[smem:$0x3FC3] =	sst s1  }
0x7: {  	_ = 	snop  }
0x8: {  	(tm) =	ssettm $0x1  }
0x9: {  	s18 =	sld [smem:$0x3FFB];
	_ =	sdelay $0x3  }
0xa: {  	_ =	strace s18  }
0xb: {  	s1 =	sld [smem:$0x3FFC];
	_ =	sdelay $0x3  }
0xc: {  	_ =	strace s1  }
0xd: {  	s1 =	sld [smem:$0x3FFD];
	_ =	sdelay $0x3  }
0xe: {  	_ =	strace s1  }
0xf: {  	_ =	strace $0x8FFFFFFF  }
0x10: {  	s19 =	sld [smem:$0x3FDB];
	_ =	sdelay $0x1  }
0x11: {  	s20 =	simm.s32 $_scs_section_size  }
0x12: {  	s4 =	simm.s32 $_size__tile_overlayer_lowered;
	s5 =	simm.s32 $_tile_overlayer_lowered  }
0x13: {  	s23 =	simm.s32 $0x1BFF;
	s22 =	sshll.u32 s5, $0x1;
	s1 =	sadd.s32 s20, s19  }
0x14: {  	s6 =	simm.s32 $0x0;
	s21 =	sshll.u32 s4, $0x1;
	s4 =	sadd.s32 s22, s1  }
0x15: {  	[timem:s6], [sflag:s23] =	dma.local [hbm:s4], s21  }
0x16: {  	_ =	swait.ge [sflag:s23], s21  }
0x17: {  	s2 =	ssub.s32 $0x0, s21;
	[sflag:s23] =	ssyncset.done $0x0  }
0x18: {  	[sflag:s23] =	ssyncadd.s32 s2;
	_ =	sdelay $0x1  }
0x19: {  	s24 =	simm.s32 $0x1B8B  }
0x1a: {  	_ =	swait.ge [sflag:s24], $0x1  }
0x1b: {  	[sflag:s24] =	ssyncset.done $0x0  }
0x1c: {  	s26 =	simm.s32 $0x1B8E;
	s25 =	sld [smem:$0x3FFE];
	[sflag:s24] =	ssyncadd.s32 $0xFFFFFFFF  }
0x1d: {  	s27 =	simm.s32 $execute0_lowered;
	[smem:$0x3FD2] =	sst s26  }
0x1e: {  	s4 =	sshll.u32 s27, $0x1;
	_ =	strace $0x80000046;
	[dreg:$0x1] =	wrdreg $0xFFFFFFFF  }
0x1f: {  	s28 =	simm.s32 $_size_execute0_lowered;
	s1 =	sadd.s32 s1, s4;
	[dreg:$0x0] =	wrdreg $0x0  }
0x20: {  	s4 =	sshll.u32 s28, $0x1;
	[dreg:$0x2] =	wrdreg s1  }
0x21: {  	[dreg:$0x3] =	wrdreg s4  }
0x22: {  	[dreg:$0x4] =	wrdreg $0xC0  }
0x23: {  	_ =	task [dreg:s6], $0x5FFFF  }
0x24: {  	[dreg:$0x1] =	wrdreg $0xFFFFFFFF  }
0x25: {  	[dreg:$0x0] =	wrdreg $0x60  }
0x26: {  	[dreg:$0x2] =	wrdreg s25  }
0x27: {  	[dreg:$0x3] =	wrdreg $0x9  }
0x28: {  	_ =	task.clear_ibuf [dreg:s6], $0x4FFFF;
	_ =	strace $0x90000046  }
0x29: {  	s29 =	simm.s32 $0x9;
	_ =	strace $0x80000048  }
0x2a: {  	_ =	swait.ge [sflag:s29], $0x1  }
0x2b: {  	[sflag:s29] =	ssyncadd.s32 $0xFFFFFFFF  }
0x2c: {  	_ =	strace $0x90000048  }
0x2d: {  	_ =	sfence  }
0x2e: {  	s30 =	sld [smem:$0x0];
	_ =	sdelay $0x2  }
0x2f: {  	s31 =	sshll.u32 s3, $0xD;
	s3 =	sshrl.u32 s3, $0x2  }
0x30: {  	s2 =	sand.u32 $0x4000, s31;
	s1 =	sadd.s32 s3, s30  }
0x31: {  	s0 =	sor.u32 s2, s0;
	s1 =	sshll.u32 s1, $0x11  }
0x32: {  	s0 =	sor.u32 s1, s0  }
0x33: {  	s0 =	sadd.s32 $0x8F2B, s0  }
0x34: {  	[sflag:s0] =	ssyncadd.remote.s32 $0x1  }
0x35: {  	_ =	sfence.sel $0xFFFF  }
0x36: {  	[dreg:$0x0] =	wrdreg $0xFFFFFFFF;
	(pc) =	sbr.abs _section_cstart, $3  }
0x37: {  	[dreg:$0x1] =	wrdreg $0xFFFFFFFF  }
0x38: {  	_ =	task.clear_ibuf [dreg:s6], $0x2FFFF;
	_ =	strace $0x9FFFFFFF  }
0x39: {  	(tm) =	ssettm $0x7FFFFFFF  }
tec
execute0_lowered:
.L_overlay_start_1:
0x0: {  	(tag) =	ssettag $0x1  }
0x1: {  	s0 =	srdreg.scid  }
0x2: {  	s1 =	sshll.u32 s0, $0x4  }
0x3: {  	s7 =	rddreg [dreg:$0x0];
	s0 =	stileid.u32;
	s1 =	sand.u32 $0x10, s1  }
0x4: {  	s31 =	simm.s32 $0x2;
	s14 =	simm.s32 $0x0;
	s8 =	sor.u32 s0, s1  }
0x5: {  	s13 =	simm.s32 $0x0;
	s12 =	simm.s32 $0x0;
	s2 =	sshll.u32 s8, $0x5  }
0x6: {  	s3 =	sadd.s32 $0x139200, s7;
	s4 =	sshll.u32 s0, $0x7;
	s2 =	sand.u32 $0x380, s2  }
0x7: {  	s1 =	rddreg [dreg:$0x1];
	s4 =	sand.u32 $0x180, s4;
	s5 =	ssub.s32 $0x400, s2  }
0x8: {  	_ =	strace $0x80000047;
	s9 =	ssub.s32 $0x2700, s4;
	s6 =	sand.u32 $0x380, s5  }
0x9: {  	s9 =	sshrl.u32 s9, $0x9;
	p0 =	sne.s32 s6, $0x0;
	s6 =	simm.s32 $0x1  }
.Ltmp0:
0xa: {  	s10 =	sshrl.u32 s5, $0xA;
	s6 =	simm.s32 @!p0 $0x0;
	(pc) =	sbr.rel .LBB1_1-.Ltmp0, $4  }
0xb: {  	s9 =	sadd.s32 $0x1, s9;
	s5 =	simm.s32 $0x1;
	s6 =	sadd.s32 s6, s10  }
0xc: {  	s7 =	sadd.s32 $0x271A00, s7;
	[sflag:s5] =	ssyncpa.u1 $0x0;
	s6 =	smul.u32 s9, s6  }
0xd: {  	s8 =	sshll.u32 s8, $0x8;
	s11 =	smov.u32 s4;
	[sflag:s31] =	ssyncpa.u1 $0x0  }
0xe: {  	p0 =	por $0x0, $0x0;
	s10 =	simm.s32 $0x13C00;
	s9 =	sadd.s32 $0x1, s6  }
.LBB1_4:
0xf: {  	s14 =	sshrl.u32 s14, $0x3  }
0x10: {  	s20 =	sshll.u32 s13, $0x3;
	s14 =	smul.u32 $0x13C00, s14  }
0x11: {  	v5 =	vld [tilespmem:s18+$0xFFFFFFD0];
	[tilespmem:s17+$0x2040 ss:$0x81] =	vst.msk $0xffff, v4;
	s20 =	sand.u32 $0xFFFFFC00, s20  }
0x12: {  	v58 =	vld [tilespmem:s18+$0xFFFFFFE0];
	[tilespmem:s17+$0x2850 ss:$0x81] =	vst.msk $0xffff, v3;
	s30 =	sand.u32 $0x7F, s13;
	s14 =	sadd.s32 s20, s14  }
0x13: {  	s19 =	sshra.s32 s19, $0x2;
	v59 =	vld [tilespmem:s18+$0xFFFFFFF0];
	[tilespmem:s17+$0x3060 ss:$0x81] =	vst.msk $0xffff, v2;
	s13 =	sor.u32 s30, s14  }
0x14: {  	v60 =	vld [tilespmem:s18+$0x0];
	[tilespmem:s17+$0x0 ss:$0x81] =	vst.msk $0xffff, v0;
	s16 =	sadd.s32 s19, s16;
	s31 =	smulhi.u32 $0xCF6474A9, s13  }
0x15: {  	v61 =	vld [tilespmem:s18+$0x10];
	[tilespmem:s16+$0x3870 ss:$0x81] =	vst.msk $0xffff, v1  }
0x16: {  	v62 =	vld [tilespmem:s18+$0x20];
	s14 =	smulhi.u32 $0xCF6474A9, s14;
	[tilespmem:s16+$0x810 ss:$0x81] =	vst.msk $0xffff, v5;
	s17 =	sshrl.u32 s31, $0xD  }
0x17: {  	v63 =	vld [tilespmem:s18+$0xFFFFFFC0];
	[tilespmem:s16+$0x1020 ss:$0x81] =	vst.msk $0xffff, v58;
	s17 =	smul.u32 $0x2780, s17  }
0x18: {  	[tilespmem:s16+$0x1830 ss:$0x81] =	vst.msk $0xffff, v59;
	s14 =	sshrl.u32 s14, $0xD  }
0x19: {  	[tilespmem:s16+$0x2040 ss:$0x81] =	vst.msk $0xffff, v60;
	s14 =	sand.u32 $0x3FF, s14;
	s13 =	ssub.s32 s13, s17  }
0x1a: {  	[tilespmem:s16+$0x2850 ss:$0x81] =	vst.msk $0xffff, v61;
	s14 =	smul.u32 $0x4F0, s14;
	s17 =	sshrl.u32 s13, $0x3;
	s13 =	sand.u32 $0x7, s13  }
0x1b: {  	[tilespmem:s16+$0x3060 ss:$0x81] =	vst.msk $0xffff, v62;
	s17 =	sadd.s32 s7, s17;
	s13 =	sshll.u32 s13, $0x12  }
0x1c: {  	[tilespmem:s16+$0x0 ss:$0x81] =	vst.msk $0xffff, v63;
	s14 =	sadd.s32 s14, s17;
	s13 =	sor.u32 $0x400, s13  }
0x1d: {  	[hbm4b:s14+s13] =	stream.strided.scatter [tilespmem:s15], [sflag:$0x2], $0x4000, s10, s13, $0x20;
	[tilespmem:$0x10100] =	vst v63  }
.LBB1_5:
0x1e: {  	s15 =	sadd.s32 $0x200, s11  }
0x1f: {  	p2 =	sgt.s32 s15, $0x270F  }
0x20: {  	s15 =	smov.u32 @p2 s4;
	p2 =	sne.s32 s12, s9  }
.Ltmp1:
0x21: {  	p1 =	slt.u32 s12, $0x2;
	(pc) =	sbr.rel @!p2 .LBB1_6-.Ltmp1, $4  }
0x22: {  	s14 =	simm.s32 @!p1 $0x2  }
0x23: {  	s16 =	sadd.s32 $0x1, s12;
	s13 =	smov.u32 s11;
	_ =	swait.ge @!p1 [sflag:s14], $0x4000  }
0x24: {  	p0 =	por !p0, !p0;
	s12 =	smov.u32 s16;
	[sflag:s14] =	ssyncset.done @!p1 $0x0  }
0x25: {  	s11 =	smov.u32 s15;
	[sflag:s14] =	ssyncadd.s32 @!p1 $0xFFFFC000;
	s14 =	smov.u32 s2  }
.LBB1_1:
0x26: {  	p1 =	sge.u32 s12, s6  }
0x27: {  	s15 =	sshll.u32 @!p1 s11, $0xA  }
0x28: {  	s15 =	sand.u32 @!p1 $0xFFFFE000, s15  }
0x29: {  	s15 =	sor.u32 @!p1 s8, s15  }
0x2a: {  	s17 =	smov.u32 s11;
	p2 =	sgt.s32 @!p1 s11, $0x2690;
	s15 =	sshrl.u32 @!p1 s15, $0xA  }
0x2b: {  	s18 =	sshra.s32 @!p1 s11, $0x1F;
	p2 =	por !p2, p1;
	s16 =	smulhi.u32 @!p1 $0x1A36E3, s15  }
0x2c: {  	s31 =	sadd.s32 $0xFFFFFFFF, s12;
	s18 =	sand.u32 @!p1 s18, s11;
	s17 =	simm.s32 @p2 $0x2690  }
0x2d: {  	s19 =	sxor.u32 @!p1 $0xFFFFFFFF, s12;
	s17 =	ssub.s32 @!p1 s17, s18;
	s16 =	sshrl.u32 @!p1 s16, $0x2  }
0x2e: {  	s18 =	sshll.u32 @!p1 s19, $0xE;
	s17 =	sadd.s32 @!p1 $0xFFFFD970, s17;
	s16 =	smul.u32 @!p1 $0x2710, s16  }
0x2f: {  	s19 =	simm.s32 @!p1 $0x2000;
	s18 =	sand.u32 @!p1 $0x4000, s18;
	p2 =	sgt.s32 @!p1 s17, $0x7F  }
0x30: {  	s15 =	ssub.s32 @!p1 s15, s16;
	s16 =	sshll.u32 @!p1 s17, $0x7;
	s17 =	sshll.u32 @!p1 s11, $0x4  }
0x31: {  	p2 =	por !p2, p1;
	s16 =	ssub.s32 @!p1 $0x4000, s16;
	s17 =	sand.u32 @!p1 $0x70, s17  }
0x32: {  	s15 =	sshll.u32 @!p1 s15, $0x7;
	s16 =	sand.u32 @!p1 $0x3FFFFF80, s16;
	s17 =	sadd.s32 @!p1 s3, s17  }
0x33: {  	s16 =	simm.s32 @!p2 $0x0;
	s15 =	sadd.s32 @!p1 s15, s17;
	s17 =	simm.s32 @!p1 $0x400  }
0x34: {  	[tilespmem:s18], [sflag:$0x1] =	stream.strided.gather @!p1 [hbm4b:s15+s17], s16, s19, s17, $0x38;
	[tilespmem:$0x10100] =	vst v63  }
0x35: {  	p1 =	sge.u32 s31, s6  }
.Ltmp2:
0x36: {  	_ = 	snop;
	(pc) =	sbr.rel @p1 .LBB1_5-.Ltmp2, $1  }
0x37: {  	_ =	sdelay $0x3  }
0x38: {  	p1 =	sgt.s32 s13, $0x2690;
	s15 =	smov.u32 s13;
	s16 =	sshra.s32 s13, $0x1F  }
0x39: {  	s15 =	simm.s32 @!p1 $0x2690;
	s16 =	sand.u32 s16, s13  }
0x3a: {  	s15 =	ssub.s32 s15, s16  }
0x3b: {  	s15 =	sadd.s32 $0xFFFFD970, s15  }
0x3c: {  	s29 =	sshll.u32 s15, $0x7  }
0x3d: {  	s16 =	ssub.s32 $0x4000, s29  }
0x3e: {  	p1 =	sgt.s32 s15, $0x7F;
	s15 =	sand.u32 $0x3FFFFF80, s16  }
0x3f: {  	s16 =	simm.s32 $0x1;
	s15 =	simm.s32 @p1 $0x0  }
0x40: {  	s16 =	simm.s32 @!p0 $0x0;
	_ =	swait.ge [sflag:s5], s15  }
0x41: {  	s17 =	sshll.u32 s16, $0xE;
	s15 =	ssub.s32 $0x0, s15;
	[sflag:s5] =	ssyncset.done $0x0  }
0x42: {  	s18 =	sor.u32 $0x40, s17;
	[sflag:s5] =	ssyncadd.s32 s15  }
0x43: {  	s30 =	smul.u32 $0x10200, s16;
	v0 =	vld [tilespmem:s18+$0x30]  }
0x44: {  	v1 =	vld [tilespmem:s18+$0xFFFFFFD0]  }
0x45: {  	s15 =	sshrl.u32 s30, $0x2;
	v5 =	vld [tilespmem:s18+$0xFFFFFFE0]  }
0x46: {  	s16 =	sor.u32 $0x8000, s15;
	v6 =	vld [tilespmem:s18+$0xFFFFFFF0]  }
0x47: {  	s31 =	sand.u32 $0x1, s12;
	v4 =	vld [tilespmem:s18+$0x0];
	s17 =	sadd.s32 $0x0, s16  }
0x48: {  	s15 =	smul.u32 $0x10200, s31;
	v3 =	vld [tilespmem:s18+$0x10];
	[tilespmem:s17+$0x3870 ss:$0x81] =	vst.msk $0xffff, v0  }
0x49: {  	v2 =	vld [tilespmem:s18+$0x20];
	[tilespmem:s17+$0x810 ss:$0x81] =	vst.msk $0xffff, v1  }
0x4a: {  	s15 =	sshrl.u32 s15, $0x2;
	v0 =	vld [tilespmem:s18+$0xFFFFFFC0];
	[tilespmem:s17+$0x1020 ss:$0x81] =	vst.msk $0xffff, v5;
	s18 =	sadd.s32 $0x80, s18  }
0x4b: {  	s19 =	simm.s32 $0x4;
	s20 =	simm.s32 $0x8;
	s15 =	sor.u32 $0x8000, s15;
	[tilespmem:s17+$0x1830 ss:$0x81] =	vst.msk $0xffff, v6;
	v1 =	vld [tilespmem:s18+$0x30]  }
.LBB1_3:
0x4c: {  	p1 =	sne.s32 s20, $0x1FC;
	v5 =	vld [tilespmem:s18+$0xFFFFFFD0];
	[tilespmem:s17+$0x2040 ss:$0x81] =	vst.msk $0xffff, v4  }
0x4d: {  	v6 =	vld [tilespmem:s18+$0xFFFFFFE0];
	[tilespmem:s17+$0x2850 ss:$0x81] =	vst.msk $0xffff, v3  }
0x4e: {  	s21 =	sshra.s32 s19, $0x2;
	s19 =	smov.u32 s20;
	v7 =	vld [tilespmem:s18+$0xFFFFFFF0];
	[tilespmem:s17+$0x3060 ss:$0x81] =	vst.msk $0xffff, v2  }
.Ltmp3:
0x4f: {  	v4 =	vld [tilespmem:s18+$0x0];
	[tilespmem:s17+$0x0 ss:$0x81] =	vst.msk $0xffff, v0;
	s17 =	sadd.s32 s21, s16;
	(pc) =	sbr.rel @p1 .LBB1_3-.Ltmp3, $4  }
0x50: {  	v3 =	vld [tilespmem:s18+$0x10];
	[tilespmem:s17+$0x3870 ss:$0x81] =	vst.msk $0xffff, v1  }
0x51: {  	[tilespmem:s17+$0x810 ss:$0x81] =	vst.msk $0xffff, v5;
	v2 =	vld [tilespmem:s18+$0x20]  }
0x52: {  	v0 =	vld [tilespmem:s18+$0xFFFFFFC0];
	[tilespmem:s17+$0x1020 ss:$0x81] =	vst.msk $0xffff, v6;
	s18 =	sadd.s32 $0x80, s18  }
0x53: {  	s20 =	sadd.s32 $0x4, s20;
	v1 =	vld [tilespmem:s18+$0x30];
	[tilespmem:s17+$0x1830 ss:$0x81] =	vst.msk $0xffff, v7  }
.Ltmp4:
0x54: {  	_ = 	snop;
	(pc) =	sbr.rel .LBB1_4-.Ltmp4, $1  }
0x55: {  	_ =	sdelay $0x3  }
.LBB1_6:
0x56: {  	_ =	sfence.sel $0x180000  }
0x57: {  	s2 =	simm.s32 $0x1;
	[bflag:$0x0] =	sbarrier.arrive $0xFFFF  }
0x58: {  	s31 =	simm.s32 $0x2;
	[sflag:s2] =	ssyncpa.u1 $0x1  }
0x59: {  	[sflag:s31] =	ssyncpa.u1 $0x1  }
0x5a: {  	p0 =	sne.s32 s0, $0x0;
	_ =	strace $0x90000047  }
0x5b: {  	s0 =	sadd.s32 @!p0 $0x100000, s1;
	[bflag:$0x2] =	sbarrier.arrive $0xFFFF  }
0x5c: {  	[sflag:s0] =	ssyncadd.tile.s32 @!p0 $0x1;
	_ =	shalt  }
.Lfunc_end1:
_tile_overlayer_lowered:
.L_overlay_start_2:
0x5d: {  	(tag) =	ssettag $0x2  }
0x5e: {  	s0 =	rddreg [dreg:$0x0];
	s2 =	stileid.u32  }
0x5f: {  	s1 =	rddreg [dreg:$0x1];
	p0 =	sne.s32 s2, $0x0  }
0x60: {  	s3 =	rddreg [dreg:$0x2];
	[bflag:$0x3] =	sbarrier.arrive $0xFFFF;
	s2 =	simm.s32 @!p0 $0x1C01  }
0x61: {  	[timem:s3], [sflag:s2] =	dma.local @!p0 [hbm:s0], s1  }
0x62: {  	s0 =	simm.s32 @!p0 $0x1  }
0x63: {  	_ =	swait.ge @!p0 [sflag:s0], s1  }
0x64: {  	s1 =	ssub.s32 @!p0 $0x0, s1;
	[sflag:s0] =	ssyncset.done @!p0 $0x0  }
0x65: {  	[sflag:s0] =	ssyncadd.s32 @!p0 s1  }
0x66: {  	[bflag:$0x3] =	sbarrier.arrive $0xFFFF  }
0x67: {  	_ =	shalt  }

</sc_bundles>
